<compile_context>
chip_gen: v7x
topology: tpu7x:2x2x1
jax: 0.10.2.dev20260603
libtpu: 0.0.44.dev20260713+nightly
codegen_flags: <defaults>
</compile_context>

<pallas_src>
import jax
import jax.numpy as jnp
from jax import lax
from jax.experimental import pallas as pl
from jax.experimental.pallas import tpu as pltpu
from jax.experimental.pallas import tpu_sc as plsc

_N = 10000
_D = 128
_NC = 2
_NS = 16
_NW = _NC * _NS
_CH = 128
_NCH = 81
_NBUF = 3
_EPT = _NCH * _CH
_EPAD = _NW * _EPT
_NHR = 80
_NH = _NHR * _D
_DUMMY = _N
_NACC = 10112
_ZPT = _NACC // _NS
_WPT = 624
_BN = 2048

_mesh = plsc.VectorSubcoreMesh(
    core_axis_name="c", subcore_axis_name="s", num_cores=_NC, num_subcores=_NS
)
_sc_params = pltpu.CompilerParams(needs_layout_passes=False)
_sc_params_lin = pltpu.CompilerParams(
    needs_layout_passes=False, use_tc_tiling_on_sc=False
)


def _s1_body(rc_hbm, hists_hbm, ceff_hbm, row_l, col_l, ceff_l, hist_l):
    wid = lax.axis_index("s") * _NC + lax.axis_index("c")
    pltpu.sync_copy(rc_hbm.at[0, wid], row_l)
    pltpu.sync_copy(rc_hbm.at[1, wid], col_l)

    def zero(j, carry):
        for k in range(_D // 16):
            hist_l[j, pl.ds(k * 16, 16)] = jnp.zeros((16,), jnp.float32)
        return carry

    lax.fori_loop(0, _NHR, zero, 0)

    lane = jax.lax.iota(jnp.int32, 16)

    def step(j, carry):
        for k in range(_CH // 16):
            r = row_l[j, pl.ds(k * 16, 16)]
            c = col_l[j, pl.ds(k * 16, 16)]
            m = r != c
            ew = jnp.where(m, jnp.float32(1.0), jnp.float32(0.0))
            dummy = _DUMMY + jnp.bitwise_and(lane + (j * (_CH // 16) + k) * 16, 63)
            ce = jnp.where(m, c, dummy)
            plsc.addupdate_scatter(
                hist_l, [jnp.right_shift(ce, 7), jnp.bitwise_and(ce, 127)], ew
            )
            ceff_l[j, pl.ds(k * 16, 16)] = ce
        return carry

    lax.fori_loop(0, _NCH, step, 0)
    pltpu.sync_copy(hist_l, hists_hbm.at[wid])
    pltpu.sync_copy(ceff_l, ceff_hbm.at[wid])


_s1 = pl.kernel(
    _s1_body,
    out_type=(
        jax.ShapeDtypeStruct((_NW, _NHR, _D), jnp.float32),
        jax.ShapeDtypeStruct((_NW, _NCH, _CH), jnp.int32),
    ),
    mesh=_mesh,
    compiler_params=_sc_params_lin,
    scratch_types=[
        pltpu.VMEM((_NCH, _CH), jnp.int32),
        pltpu.VMEM((_NCH, _CH), jnp.int32),
        pltpu.VMEM((_NCH, _CH), jnp.int32),
        pltpu.VMEM((_NHR, _D), jnp.float32),
    ],
)


def _s2_body(
    rc_hbm, ceff_hbm, y_hbm, accs_hbm, row_l, ceff_l,
    g0, g1, g2, gs0, gs1, gs2, ss0, ss1, ss2, ysem, acc, y_sh,
):
    g = (g0, g1, g2)
    gsem = (gs0, gs1, gs2)
    ssem = (ss0, ss1, ss2)
    cid = lax.axis_index("c")
    sid = lax.axis_index("s")
    wid = sid * _NC + cid
    ycopy = pltpu.async_copy(
        y_hbm.at[pl.ds(sid * _WPT, _WPT)], y_sh.at[pl.ds(sid * _WPT, _WPT)], ysem
    )
    pltpu.sync_copy(rc_hbm.at[0, wid], row_l)
    pltpu.sync_copy(ceff_hbm.at[wid], ceff_l)

    def zg(j, carry):
        for k in range(_D // 32):
            g0[j, pl.ds(k * 32, 32)] = jnp.zeros((32,), jnp.bfloat16)
        return carry

    lax.fori_loop(0, _CH, zg, 0)
    zbase = sid * _WPT
    for b in range(4):
        pltpu.sync_copy(g0, acc.at[pl.ds(zbase + b * _CH, _CH)])
    pltpu.sync_copy(
        g0.at[pl.ds(0, _WPT - 4 * _CH)], acc.at[pl.ds(zbase + 4 * _CH, _WPT - 4 * _CH)]
    )

    @pl.when(sid == _NS - 1)
    def _ztail():
        pltpu.sync_copy(g0, acc.at[pl.ds(_NS * _WPT, _NACC - _NS * _WPT)])
        pltpu.sync_copy(
            y_hbm.at[pl.ds(_NS * _WPT, _N - _NS * _WPT)],
            y_sh.at[pl.ds(_NS * _WPT, _N - _NS * _WPT)],
        )

    ycopy.wait()
    plsc.subcore_barrier()

    def gissue(i, b):
        pltpu.async_copy(y_sh.at[row_l.at[i]], g[b], gsem[b])

    for b in range(_NBUF):
        gissue(b, b)

    def group(iog, carry):
        io = iog * _NBUF
        for b in range(_NBUF):
            i = io + b
            pltpu.make_async_copy(y_sh.at[row_l.at[i]], g[b], gsem[b]).wait()
            pltpu.async_copy(g[b], acc.at[ceff_l.at[i]], ssem[b], add=True)
        for b in range(_NBUF):
            i = io + b
            pltpu.make_async_copy(g[b], acc.at[ceff_l.at[i]], ssem[b]).wait()
            gissue(i + _NBUF, b)
        return carry

    lax.fori_loop(0, _NCH // _NBUF - 1, group, 0)
    for b in range(_NBUF):
        i = _NCH - _NBUF + b
        pltpu.make_async_copy(y_sh.at[row_l.at[i]], g[b], gsem[b]).wait()
        pltpu.sync_copy(g[b], acc.at[ceff_l.at[i]], add=True)
    plsc.subcore_barrier()
    wbase = sid * _WPT
    pltpu.sync_copy(acc.at[pl.ds(wbase, _WPT)], accs_hbm.at[cid, pl.ds(wbase, _WPT)])

    @pl.when(sid == _NS - 1)
    def _tail():
        pltpu.sync_copy(
            acc.at[pl.ds(_NS * _WPT, _N - _NS * _WPT)],
            accs_hbm.at[cid, pl.ds(_NS * _WPT, _N - _NS * _WPT)],
        )


_s2 = pl.kernel(
    _s2_body,
    out_type=jax.ShapeDtypeStruct((_NC, _N, _D), jnp.bfloat16),
    mesh=_mesh,
    compiler_params=_sc_params_lin,
    scratch_types=[
        pltpu.VMEM((_NCH, _CH), jnp.int32),
        pltpu.VMEM((_NCH, _CH), jnp.int32),
    ]
    + [pltpu.VMEM((_CH, _D), jnp.bfloat16)] * _NBUF
    + [pltpu.SemaphoreType.DMA] * (2 * _NBUF + 1)
    + [
        pltpu.VMEM_SHARED((_NACC, _D), jnp.bfloat16),
        pltpu.VMEM_SHARED((_N, _D), jnp.bfloat16),
    ],
)


def _tca_body(hists_ref, x_ref, w_ref, y_ref, ybf_ref):
    deg = jnp.sum(hists_ref[...], axis=0) + 1.0
    dis = lax.rsqrt(deg)
    xw = jnp.dot(x_ref[...], w_ref[...], preferred_element_type=jnp.float32)
    y = dis[:, None] * xw
    y_ref[...] = y
    ybf_ref[...] = y.astype(jnp.bfloat16)


def _tcc_body(acc_ref, y_ref, hists_ref, b_ref, o_ref):
    deg = jnp.sum(hists_ref[...], axis=0) + 1.0
    dis = lax.rsqrt(deg)
    s = (acc_ref[0] + acc_ref[1]).astype(jnp.float32) + y_ref[...]
    o_ref[...] = dis[:, None] * s + b_ref[...]


_GRID = (_NH // _BN,)

_tca = pl.pallas_call(
    _tca_body,
    grid=_GRID,
    in_specs=[
        pl.BlockSpec((_NW, _BN), lambda g: (0, g)),
        pl.BlockSpec((_BN, _D), lambda g: (g, 0)),
        pl.BlockSpec((_D, _D), lambda g: (0, 0)),
    ],
    out_specs=(
        pl.BlockSpec((_BN, _D), lambda g: (g, 0)),
        pl.BlockSpec((_BN, _D), lambda g: (g, 0)),
    ),
    out_shape=(
        jax.ShapeDtypeStruct((_N, _D), jnp.float32),
        jax.ShapeDtypeStruct((_N, _D), jnp.bfloat16),
    ),
)

_tcc = pl.pallas_call(
    _tcc_body,
    grid=_GRID,
    in_specs=[
        pl.BlockSpec((_NC, _BN, _D), lambda g: (0, g, 0)),
        pl.BlockSpec((_BN, _D), lambda g: (g, 0)),
        pl.BlockSpec((_NW, _BN), lambda g: (0, g)),
        pl.BlockSpec((1, _D), lambda g: (0, 0)),
    ],
    out_specs=pl.BlockSpec((_BN, _D), lambda g: (g, 0)),
    out_shape=jax.ShapeDtypeStruct((_N, _D), jnp.float32),
)


def kernel(x, edge_index, weight, bias):
    rc = jnp.pad(
        edge_index.astype(jnp.int32), ((0, 0), (0, _EPAD - edge_index.shape[1]))
    ).reshape(2, _NW, _NCH, _CH)
    hists, ceff = _s1(rc)
    hists2d = hists.reshape(_NW, _NH)
    y, ybf = _tca(hists2d, x, weight)
    accs = _s2(rc, ceff, ybf)
    return _tcc(accs, y, hists2d, bias.reshape(1, _D))

# --- scband reference (transcript-rebuilt; emitter-appended) ---
"""Pipeline reference for scband-lazy-gcnconv-77025943487121 (READ-ONLY COPY).

The authoritative reference and input builder live on the scoring server;
editing this copy changes nothing except your own understanding.
"""

import jax, jax.numpy as jnp
import numpy as np

N_NODES = 10000
N_EDGES = 320000
D_IN = 128
D_OUT = 128

def setup_inputs(seed: int = 0) -> dict:
    key = jax.random.key(seed)
    k1, k2, k3, k4 = jax.random.split(key, 4)
    x = jax.random.normal(k1, (N_NODES, D_IN), dtype=jnp.float32)
    edge_index = jax.random.randint(k2, (2, N_EDGES), 0, N_NODES, dtype=jnp.int64)
    # glorot-initialized weight, zero bias (lazy-initialized in torch at first forward)
    limit = float(np.sqrt(6.0 / (D_IN + D_OUT)))
    weight = jax.random.uniform(k3, (D_IN, D_OUT), minval=-limit, maxval=limit, dtype=jnp.float32)
    bias = jnp.zeros((D_OUT,), dtype=jnp.float32)
    return {"x": x, "edge_index": edge_index, "weight": weight, "bias": bias}

def _gcn_norm(edge_index, num_nodes, dtype):
    # add_remaining_self_loops with fill_value=1.0 and unit edge weights:
    # drop existing self-loops (their weight 1.0 is re-used as the loop weight),
    # append one self-loop per node with weight 1.0.
    row = edge_index[0]
    col = edge_index[1]
    ew_edges = jnp.where(row != col, 1.0, 0.0).astype(dtype)
    loop = jnp.arange(num_nodes, dtype=edge_index.dtype)
    row_full = jnp.concatenate([row, loop])
    col_full = jnp.concatenate([col, loop])
    ew_full = jnp.concatenate([ew_edges, jnp.ones((num_nodes,), dtype=dtype)])
    deg = jnp.zeros((num_nodes,), dtype=dtype).at[col_full].add(ew_full)
    deg_inv_sqrt = jnp.where(deg > 0, deg ** -0.5, 0.0).astype(dtype)
    norm = deg_inv_sqrt[row_full] * ew_full * deg_inv_sqrt[col_full]
    return row_full, col_full, norm

def reference(x, edge_index, weight, bias):
    num_nodes = x.shape[0]
    row, col, norm = _gcn_norm(edge_index, num_nodes, x.dtype)
    xw = jnp.matmul(x, weight)
    # message: norm * x_j (source node features), aggregate add at dst (col)
    msg = norm[:, None] * jnp.take(xw, row, axis=0)
    out = jnp.zeros((num_nodes, xw.shape[1]), dtype=x.dtype).at[col].add(msg)
    out = out + bias
    return out

if __name__ == "__main__":
    import jax
    _d = setup_inputs()
    print(jax.jit(kernel)(*tuple(_d.values())))

</pallas_src>

<mosaic_0001>
#map = affine_map<(d0, d1) -> (0, 0, 0, 0)>
#map1 = affine_map<(d0, d1) -> (0, 0, 0)>
module attributes {stable_mosaic.version = 14 : i64} {
  func.func @_s1_body(%arg0: i32, %arg1: i32, %arg2: memref<2x32x81x128xi32, #tpu.memory_space<hbm>>, %arg3: memref<32x80x128xf32, #tpu.memory_space<hbm>>, %arg4: memref<32x81x128xi32, #tpu.memory_space<hbm>>, %arg5: memref<81x128xi32, #tpu.memory_space<vmem>>, %arg6: memref<81x128xi32, #tpu.memory_space<vmem>>, %arg7: memref<81x128xi32, #tpu.memory_space<vmem>>, %arg8: memref<80x128xf32, #tpu.memory_space<vmem>>) attributes {dimension_semantics = [#tpu.dimension_semantics<core_parallel>, #tpu.dimension_semantics<subcore_parallel>], iteration_bounds = array<i64: 2, 16>, scalar_prefetch = 0 : i64, scratch_operands = 4 : i64, tpu.core_type = #tpu.core_type<sc_vector_subcore>, window_params = [{transform_indices = #map}, {transform_indices = #map1}, {transform_indices = #map1}]} {
    %mul3A = arith.constant 2 : i32
    %mul3A_0 = arith.muli %arg1, %mul3A : i32
    %add3A = arith.addi %mul3A_0, %arg0 : i32
    %run_scoped3A = arith.constant 0 : i32
    "tpu.region"() ({
      %run_scoped3A_13 = tpu.sem_alloc : memref<!tpu.dma_semaphore, #tpu.memory_space<semaphore_mem>>
      %dma_start3A = arith.constant 0 : i32
      %dma_start3A_14 = arith.constant 0 : i32
      %dma_start3A_15 = tpu.memref_slice %arg2[%run_scoped3A, %add3A, %dma_start3A, %dma_start3A_14] : memref<2x32x81x128xi32, #tpu.memory_space<hbm>> -> memref<1x1x81x128xi32, #tpu.memory_space<hbm>>
      %dma_start3A_16 = tpu.memref_squeeze %dma_start3A_15 : memref<1x1x81x128xi32, #tpu.memory_space<hbm>> -> memref<81x128xi32, #tpu.memory_space<hbm>>
      %dma_start3A_17 = arith.constant 0 : i32
      %dma_start3A_18 = arith.constant 0 : i32
      %dma_start3A_19 = tpu.memref_slice %arg2[%run_scoped3A, %add3A, %dma_start3A_17, %dma_start3A_18] : memref<2x32x81x128xi32, #tpu.memory_space<hbm>> -> memref<1x1x81x128xi32, #tpu.memory_space<hbm>>
      %dma_start3A_20 = tpu.memref_squeeze %dma_start3A_19 : memref<1x1x81x128xi32, #tpu.memory_space<hbm>> -> memref<81x128xi32, #tpu.memory_space<hbm>>
      tpu.enqueue_dma source(%dma_start3A_20 : memref<81x128xi32, #tpu.memory_space<hbm>>) target(%arg5 : memref<81x128xi32, #tpu.memory_space<vmem>>) target_semaphore(%run_scoped3A_13 : memref<!tpu.dma_semaphore, #tpu.memory_space<semaphore_mem>>)
      %dma_wait3A = arith.constant 0 : i32
      %dma_wait3A_21 = arith.constant 0 : i32
      %dma_wait3A_22 = tpu.memref_slice %arg2[%run_scoped3A, %add3A, %dma_wait3A, %dma_wait3A_21] : memref<2x32x81x128xi32, #tpu.memory_space<hbm>> -> memref<1x1x81x128xi32, #tpu.memory_space<hbm>>
      %dma_wait3A_23 = tpu.memref_squeeze %dma_wait3A_22 : memref<1x1x81x128xi32, #tpu.memory_space<hbm>> -> memref<81x128xi32, #tpu.memory_space<hbm>>
      %dma_wait3A_24 = arith.constant 0 : i32
      %dma_wait3A_25 = arith.constant 0 : i32
      %dma_wait3A_26 = tpu.memref_slice %arg2[%run_scoped3A, %add3A, %dma_wait3A_24, %dma_wait3A_25] : memref<2x32x81x128xi32, #tpu.memory_space<hbm>> -> memref<1x1x81x128xi32, #tpu.memory_space<hbm>>
      %dma_wait3A_27 = tpu.memref_squeeze %dma_wait3A_26 : memref<1x1x81x128xi32, #tpu.memory_space<hbm>> -> memref<81x128xi32, #tpu.memory_space<hbm>>
      tpu.wait_dma2 semaphore(%run_scoped3A_13 : memref<!tpu.dma_semaphore, #tpu.memory_space<semaphore_mem>>) src(%dma_wait3A_27 : memref<81x128xi32, #tpu.memory_space<hbm>>) dst(%arg5 : memref<81x128xi32, #tpu.memory_space<vmem>>)
      tpu.yield
    }) : () -> ()
    %run_scoped3A_1 = arith.constant 1 : i32
    "tpu.region"() ({
      %run_scoped3A_13 = tpu.sem_alloc : memref<!tpu.dma_semaphore, #tpu.memory_space<semaphore_mem>>
      %dma_start3A = arith.constant 0 : i32
      %dma_start3A_14 = arith.constant 0 : i32
      %dma_start3A_15 = tpu.memref_slice %arg2[%run_scoped3A_1, %add3A, %dma_start3A, %dma_start3A_14] : memref<2x32x81x128xi32, #tpu.memory_space<hbm>> -> memref<1x1x81x128xi32, #tpu.memory_space<hbm>>
      %dma_start3A_16 = tpu.memref_squeeze %dma_start3A_15 : memref<1x1x81x128xi32, #tpu.memory_space<hbm>> -> memref<81x128xi32, #tpu.memory_space<hbm>>
      %dma_start3A_17 = arith.constant 0 : i32
      %dma_start3A_18 = arith.constant 0 : i32
      %dma_start3A_19 = tpu.memref_slice %arg2[%run_scoped3A_1, %add3A, %dma_start3A_17, %dma_start3A_18] : memref<2x32x81x128xi32, #tpu.memory_space<hbm>> -> memref<1x1x81x128xi32, #tpu.memory_space<hbm>>
      %dma_start3A_20 = tpu.memref_squeeze %dma_start3A_19 : memref<1x1x81x128xi32, #tpu.memory_space<hbm>> -> memref<81x128xi32, #tpu.memory_space<hbm>>
      tpu.enqueue_dma source(%dma_start3A_20 : memref<81x128xi32, #tpu.memory_space<hbm>>) target(%arg6 : memref<81x128xi32, #tpu.memory_space<vmem>>) target_semaphore(%run_scoped3A_13 : memref<!tpu.dma_semaphore, #tpu.memory_space<semaphore_mem>>)
      %dma_wait3A = arith.constant 0 : i32
      %dma_wait3A_21 = arith.constant 0 : i32
      %dma_wait3A_22 = tpu.memref_slice %arg2[%run_scoped3A_1, %add3A, %dma_wait3A, %dma_wait3A_21] : memref<2x32x81x128xi32, #tpu.memory_space<hbm>> -> memref<1x1x81x128xi32, #tpu.memory_space<hbm>>
      %dma_wait3A_23 = tpu.memref_squeeze %dma_wait3A_22 : memref<1x1x81x128xi32, #tpu.memory_space<hbm>> -> memref<81x128xi32, #tpu.memory_space<hbm>>
      %dma_wait3A_24 = arith.constant 0 : i32
      %dma_wait3A_25 = arith.constant 0 : i32
      %dma_wait3A_26 = tpu.memref_slice %arg2[%run_scoped3A_1, %add3A, %dma_wait3A_24, %dma_wait3A_25] : memref<2x32x81x128xi32, #tpu.memory_space<hbm>> -> memref<1x1x81x128xi32, #tpu.memory_space<hbm>>
      %dma_wait3A_27 = tpu.memref_squeeze %dma_wait3A_26 : memref<1x1x81x128xi32, #tpu.memory_space<hbm>> -> memref<81x128xi32, #tpu.memory_space<hbm>>
      tpu.wait_dma2 semaphore(%run_scoped3A_13 : memref<!tpu.dma_semaphore, #tpu.memory_space<semaphore_mem>>) src(%dma_wait3A_27 : memref<81x128xi32, #tpu.memory_space<hbm>>) dst(%arg6 : memref<81x128xi32, #tpu.memory_space<vmem>>)
      tpu.yield
    }) : () -> ()
    %scan3A = arith.constant 0 : i32
    %scan3A_2 = arith.constant 0 : i32
    %scan3A_3 = arith.constant 80 : i32
    %scan3A_4 = arith.addi %scan3A_2, %scan3A_3 : i32
    %scan3A_5 = arith.constant 1 : i32
    scf.for %scan3A_13 = %scan3A_2 to %scan3A_4 step %scan3A_5  : i32 {
      %broadcast_in_dim3A = arith.constant 0.000000e+00 : f32
      %broadcast_in_dim3A_14 = vector.broadcast %broadcast_in_dim3A : f32 to vector<16xf32>
      %swap3A = arith.index_cast %scan3A_13 : i32 to index
      %swap3A_15 = arith.constant 0 : index
      %swap3A_16 = tpu.vector_load %arg8[%swap3A, %swap3A_15] {strides = array<i32>} : memref<80x128xf32, #tpu.memory_space<vmem>>, vector<16xf32>,
      tpu.vector_store %arg8[%swap3A, %swap3A_15], %broadcast_in_dim3A_14 {strides = array<i32>} : memref<80x128xf32, #tpu.memory_space<vmem>>, vector<16xf32>,
      %broadcast_in_dim3A_17 = arith.constant 0.000000e+00 : f32
      %broadcast_in_dim3A_18 = vector.broadcast %broadcast_in_dim3A_17 : f32 to vector<16xf32>
      %swap3A_19 = arith.index_cast %scan3A_13 : i32 to index
      %swap3A_20 = arith.constant 16 : index
      %swap3A_21 = tpu.vector_load %arg8[%swap3A_19, %swap3A_20] {strides = array<i32>} : memref<80x128xf32, #tpu.memory_space<vmem>>, vector<16xf32>,
      tpu.vector_store %arg8[%swap3A_19, %swap3A_20], %broadcast_in_dim3A_18 {strides = array<i32>} : memref<80x128xf32, #tpu.memory_space<vmem>>, vector<16xf32>,
      %broadcast_in_dim3A_22 = arith.constant 0.000000e+00 : f32
      %broadcast_in_dim3A_23 = vector.broadcast %broadcast_in_dim3A_22 : f32 to vector<16xf32>
      %swap3A_24 = arith.index_cast %scan3A_13 : i32 to index
      %swap3A_25 = arith.constant 32 : index
      %swap3A_26 = tpu.vector_load %arg8[%swap3A_24, %swap3A_25] {strides = array<i32>} : memref<80x128xf32, #tpu.memory_space<vmem>>, vector<16xf32>,
      tpu.vector_store %arg8[%swap3A_24, %swap3A_25], %broadcast_in_dim3A_23 {strides = array<i32>} : memref<80x128xf32, #tpu.memory_space<vmem>>, vector<16xf32>,
      %broadcast_in_dim3A_27 = arith.constant 0.000000e+00 : f32
      %broadcast_in_dim3A_28 = vector.broadcast %broadcast_in_dim3A_27 : f32 to vector<16xf32>
      %swap3A_29 = arith.index_cast %scan3A_13 : i32 to index
      %swap3A_30 = arith.constant 48 : index
      %swap3A_31 = tpu.vector_load %arg8[%swap3A_29, %swap3A_30] {strides = array<i32>} : memref<80x128xf32, #tpu.memory_space<vmem>>, vector<16xf32>,
      tpu.vector_store %arg8[%swap3A_29, %swap3A_30], %broadcast_in_dim3A_28 {strides = array<i32>} : memref<80x128xf32, #tpu.memory_space<vmem>>, vector<16xf32>,
      %broadcast_in_dim3A_32 = arith.constant 0.000000e+00 : f32
      %broadcast_in_dim3A_33 = vector.broadcast %broadcast_in_dim3A_32 : f32 to vector<16xf32>
      %swap3A_34 = arith.index_cast %scan3A_13 : i32 to index
      %swap3A_35 = arith.constant 64 : index
      %swap3A_36 = tpu.vector_load %arg8[%swap3A_34, %swap3A_35] {strides = array<i32>} : memref<80x128xf32, #tpu.memory_space<vmem>>, vector<16xf32>,
      tpu.vector_store %arg8[%swap3A_34, %swap3A_35], %broadcast_in_dim3A_33 {strides = array<i32>} : memref<80x128xf32, #tpu.memory_space<vmem>>, vector<16xf32>,
      %broadcast_in_dim3A_37 = arith.constant 0.000000e+00 : f32
      %broadcast_in_dim3A_38 = vector.broadcast %broadcast_in_dim3A_37 : f32 to vector<16xf32>
      %swap3A_39 = arith.index_cast %scan3A_13 : i32 to index
      %swap3A_40 = arith.constant 80 : index
      %swap3A_41 = tpu.vector_load %arg8[%swap3A_39, %swap3A_40] {strides = array<i32>} : memref<80x128xf32, #tpu.memory_space<vmem>>, vector<16xf32>,
      tpu.vector_store %arg8[%swap3A_39, %swap3A_40], %broadcast_in_dim3A_38 {strides = array<i32>} : memref<80x128xf32, #tpu.memory_space<vmem>>, vector<16xf32>,
      %broadcast_in_dim3A_42 = arith.constant 0.000000e+00 : f32
      %broadcast_in_dim3A_43 = vector.broadcast %broadcast_in_dim3A_42 : f32 to vector<16xf32>
      %swap3A_44 = arith.index_cast %scan3A_13 : i32 to index
      %swap3A_45 = arith.constant 96 : index
      %swap3A_46 = tpu.vector_load %arg8[%swap3A_44, %swap3A_45] {strides = array<i32>} : memref<80x128xf32, #tpu.memory_space<vmem>>, vector<16xf32>,
      tpu.vector_store %arg8[%swap3A_44, %swap3A_45], %broadcast_in_dim3A_43 {strides = array<i32>} : memref<80x128xf32, #tpu.memory_space<vmem>>, vector<16xf32>,
      %broadcast_in_dim3A_47 = arith.constant 0.000000e+00 : f32
      %broadcast_in_dim3A_48 = vector.broadcast %broadcast_in_dim3A_47 : f32 to vector<16xf32>
      %swap3A_49 = arith.index_cast %scan3A_13 : i32 to index
      %swap3A_50 = arith.constant 112 : index
      %swap3A_51 = tpu.vector_load %arg8[%swap3A_49, %swap3A_50] {strides = array<i32>} : memref<80x128xf32, #tpu.memory_space<vmem>>, vector<16xf32>,
      tpu.vector_store %arg8[%swap3A_49, %swap3A_50], %broadcast_in_dim3A_48 {strides = array<i32>} : memref<80x128xf32, #tpu.memory_space<vmem>>, vector<16xf32>,
    }
    %scan3A_6 = arith.constant 80 : i32
    %iota3A = tpu.iota {dimensions = array<i32: 0>} : vector<16xi32>
    %scan3A_7 = arith.constant 0 : i32
    %scan3A_8 = arith.constant 0 : i32
    %scan3A_9 = arith.constant 81 : i32
    %scan3A_10 = arith.addi %scan3A_8, %scan3A_9 : i32
    %scan3A_11 = arith.constant 1 : i32
    scf.for %scan3A_13 = %scan3A_8 to %scan3A_10 step %scan3A_11  : i32 {
      %get3A = arith.index_cast %scan3A_13 : i32 to index
      %get3A_14 = arith.constant 0 : index
      %get3A_15 = tpu.vector_load %arg5[%get3A, %get3A_14] {strides = array<i32>} : memref<81x128xi32, #tpu.memory_space<vmem>>, vector<16xi32>,
      %get3A_16 = arith.index_cast %scan3A_13 : i32 to index
      %get3A_17 = arith.constant 0 : index
      %get3A_18 = tpu.vector_load %arg6[%get3A_16, %get3A_17] {strides = array<i32>} : memref<81x128xi32, #tpu.memory_space<vmem>>, vector<16xi32>,
      %ne3A = arith.cmpi ne, %get3A_15, %get3A_18 : vector<16xi32>
      %jit3A = arith.constant 1.000000e+00 : f32
      %jit3A_19 = arith.constant 0.000000e+00 : f32
      %broadcast_in_dim3A = vector.broadcast %jit3A : f32 to vector<16xf32>
      %broadcast_in_dim3A_20 = vector.broadcast %jit3A_19 : f32 to vector<16xf32>
      %select_n3A = arith.select %ne3A, %broadcast_in_dim3A, %broadcast_in_dim3A_20 : vector<16xi1>, vector<16xf32>
      %mul3A_21 = arith.constant 8 : i32
      %mul3A_22 = arith.muli %scan3A_13, %mul3A_21 : i32
      %add3A_23 = arith.constant 0 : i32
      %add3A_24 = arith.addi %mul3A_22, %add3A_23 : i32
      %mul3A_25 = arith.constant 16 : i32
      %mul3A_26 = arith.muli %add3A_24, %mul3A_25 : i32
      %add3A_27 = vector.broadcast %mul3A_26 : i32 to vector<16xi32>
      %add3A_28 = arith.addi %iota3A, %add3A_27 : vector<16xi32>
      %and3A = arith.constant 63 : i32
      %and3A_29 = vector.broadcast %and3A : i32 to vector<16xi32>
      %and3A_30 = arith.andi %add3A_28, %and3A_29 : vector<16xi32>
      %add3A_31 = arith.constant 10000 : i32
      %add3A_32 = vector.broadcast %add3A_31 : i32 to vector<16xi32>
      %add3A_33 = arith.addi %add3A_32, %and3A_30 : vector<16xi32>
      %select_n3A_34 = arith.select %ne3A, %get3A_18, %add3A_33 : vector<16xi1>, vector<16xi32>
      %shift_right_arithmetic3A = arith.constant 7 : i32
      %shift_right_arithmetic3A_35 = vector.broadcast %shift_right_arithmetic3A : i32 to vector<16xi32>
      %shift_right_arithmetic3A_36 = arith.shrsi %select_n3A_34, %shift_right_arithmetic3A_35 : vector<16xi32>
      %and3A_37 = arith.constant 127 : i32
      %and3A_38 = vector.broadcast %and3A_37 : i32 to vector<16xi32>
      %and3A_39 = arith.andi %select_n3A_34, %and3A_38 : vector<16xi32>
      tpu.vector_store_idx %arg8[%shift_right_arithmetic3A_36, %and3A_39], %select_n3A {add = true} : memref<80x128xf32, #tpu.memory_space<vmem>>[vector<16xi32>, vector<16xi32>], vector<16xf32>,
      %swap3A = arith.index_cast %scan3A_13 : i32 to index
      %swap3A_40 = arith.constant 0 : index
      %swap3A_41 = tpu.vector_load %arg7[%swap3A, %swap3A_40] {strides = array<i32>} : memref<81x128xi32, #tpu.memory_space<vmem>>, vector<16xi32>,
      tpu.vector_store %arg7[%swap3A, %swap3A_40], %select_n3A_34 {strides = array<i32>} : memref<81x128xi32, #tpu.memory_space<vmem>>, vector<16xi32>,
      %get3A_42 = arith.index_cast %scan3A_13 : i32 to index
      %get3A_43 = arith.constant 16 : index
      %get3A_44 = tpu.vector_load %arg5[%get3A_42, %get3A_43] {strides = array<i32>} : memref<81x128xi32, #tpu.memory_space<vmem>>, vector<16xi32>,
      %get3A_45 = arith.index_cast %scan3A_13 : i32 to index
      %get3A_46 = arith.constant 16 : index
      %get3A_47 = tpu.vector_load %arg6[%get3A_45, %get3A_46] {strides = array<i32>} : memref<81x128xi32, #tpu.memory_space<vmem>>, vector<16xi32>,
      %ne3A_48 = arith.cmpi ne, %get3A_44, %get3A_47 : vector<16xi32>
      %jit3A_49 = arith.constant 1.000000e+00 : f32
      %jit3A_50 = arith.constant 0.000000e+00 : f32
      %broadcast_in_dim3A_51 = vector.broadcast %jit3A_49 : f32 to vector<16xf32>
      %broadcast_in_dim3A_52 = vector.broadcast %jit3A_50 : f32 to vector<16xf32>
      %select_n3A_53 = arith.select %ne3A_48, %broadcast_in_dim3A_51, %broadcast_in_dim3A_52 : vector<16xi1>, vector<16xf32>
      %mul3A_54 = arith.constant 8 : i32
      %mul3A_55 = arith.muli %scan3A_13, %mul3A_54 : i32
      %add3A_56 = arith.constant 1 : i32
      %add3A_57 = arith.addi %mul3A_55, %add3A_56 : i32
      %mul3A_58 = arith.constant 16 : i32
      %mul3A_59 = arith.muli %add3A_57, %mul3A_58 : i32
      %add3A_60 = vector.broadcast %mul3A_59 : i32 to vector<16xi32>
      %add3A_61 = arith.addi %iota3A, %add3A_60 : vector<16xi32>
      %and3A_62 = arith.constant 63 : i32
      %and3A_63 = vector.broadcast %and3A_62 : i32 to vector<16xi32>
      %and3A_64 = arith.andi %add3A_61, %and3A_63 : vector<16xi32>
      %add3A_65 = arith.constant 10000 : i32
      %add3A_66 = vector.broadcast %add3A_65 : i32 to vector<16xi32>
      %add3A_67 = arith.addi %add3A_66, %and3A_64 : vector<16xi32>
      %select_n3A_68 = arith.select %ne3A_48, %get3A_47, %add3A_67 : vector<16xi1>, vector<16xi32>
      %shift_right_arithmetic3A_69 = arith.constant 7 : i32
      %shift_right_arithmetic3A_70 = vector.broadcast %shift_right_arithmetic3A_69 : i32 to vector<16xi32>
      %shift_right_arithmetic3A_71 = arith.shrsi %select_n3A_68, %shift_right_arithmetic3A_70 : vector<16xi32>
      %and3A_72 = arith.constant 127 : i32
      %and3A_73 = vector.broadcast %and3A_72 : i32 to vector<16xi32>
      %and3A_74 = arith.andi %select_n3A_68, %and3A_73 : vector<16xi32>
      tpu.vector_store_idx %arg8[%shift_right_arithmetic3A_71, %and3A_74], %select_n3A_53 {add = true} : memref<80x128xf32, #tpu.memory_space<vmem>>[vector<16xi32>, vector<16xi32>], vector<16xf32>,
      %swap3A_75 = arith.index_cast %scan3A_13 : i32 to index
      %swap3A_76 = arith.constant 16 : index
      %swap3A_77 = tpu.vector_load %arg7[%swap3A_75, %swap3A_76] {strides = array<i32>} : memref<81x128xi32, #tpu.memory_space<vmem>>, vector<16xi32>,
      tpu.vector_store %arg7[%swap3A_75, %swap3A_76], %select_n3A_68 {strides = array<i32>} : memref<81x128xi32, #tpu.memory_space<vmem>>, vector<16xi32>,
      %get3A_78 = arith.index_cast %scan3A_13 : i32 to index
      %get3A_79 = arith.constant 32 : index
      %get3A_80 = tpu.vector_load %arg5[%get3A_78, %get3A_79] {strides = array<i32>} : memref<81x128xi32, #tpu.memory_space<vmem>>, vector<16xi32>,
      %get3A_81 = arith.index_cast %scan3A_13 : i32 to index
      %get3A_82 = arith.constant 32 : index
      %get3A_83 = tpu.vector_load %arg6[%get3A_81, %get3A_82] {strides = array<i32>} : memref<81x128xi32, #tpu.memory_space<vmem>>, vector<16xi32>,
      %ne3A_84 = arith.cmpi ne, %get3A_80, %get3A_83 : vector<16xi32>
      %jit3A_85 = arith.constant 1.000000e+00 : f32
      %jit3A_86 = arith.constant 0.000000e+00 : f32
      %broadcast_in_dim3A_87 = vector.broadcast %jit3A_85 : f32 to vector<16xf32>
      %broadcast_in_dim3A_88 = vector.broadcast %jit3A_86 : f32 to vector<16xf32>
      %select_n3A_89 = arith.select %ne3A_84, %broadcast_in_dim3A_87, %broadcast_in_dim3A_88 : vector<16xi1>, vector<16xf32>
      %mul3A_90 = arith.constant 8 : i32
      %mul3A_91 = arith.muli %scan3A_13, %mul3A_90 : i32
      %add3A_92 = arith.constant 2 : i32
      %add3A_93 = arith.addi %mul3A_91, %add3A_92 : i32
      %mul3A_94 = arith.constant 16 : i32
      %mul3A_95 = arith.muli %add3A_93, %mul3A_94 : i32
      %add3A_96 = vector.broadcast %mul3A_95 : i32 to vector<16xi32>
      %add3A_97 = arith.addi %iota3A, %add3A_96 : vector<16xi32>
      %and3A_98 = arith.constant 63 : i32
      %and3A_99 = vector.broadcast %and3A_98 : i32 to vector<16xi32>
      %and3A_100 = arith.andi %add3A_97, %and3A_99 : vector<16xi32>
      %add3A_101 = arith.constant 10000 : i32
      %add3A_102 = vector.broadcast %add3A_101 : i32 to vector<16xi32>
      %add3A_103 = arith.addi %add3A_102, %and3A_100 : vector<16xi32>
      %select_n3A_104 = arith.select %ne3A_84, %get3A_83, %add3A_103 : vector<16xi1>, vector<16xi32>
      %shift_right_arithmetic3A_105 = arith.constant 7 : i32
      %shift_right_arithmetic3A_106 = vector.broadcast %shift_right_arithmetic3A_105 : i32 to vector<16xi32>
      %shift_right_arithmetic3A_107 = arith.shrsi %select_n3A_104, %shift_right_arithmetic3A_106 : vector<16xi32>
      %and3A_108 = arith.constant 127 : i32
      %and3A_109 = vector.broadcast %and3A_108 : i32 to vector<16xi32>
      %and3A_110 = arith.andi %select_n3A_104, %and3A_109 : vector<16xi32>
      tpu.vector_store_idx %arg8[%shift_right_arithmetic3A_107, %and3A_110], %select_n3A_89 {add = true} : memref<80x128xf32, #tpu.memory_space<vmem>>[vector<16xi32>, vector<16xi32>], vector<16xf32>,
      %swap3A_111 = arith.index_cast %scan3A_13 : i32 to index
      %swap3A_112 = arith.constant 32 : index
      %swap3A_113 = tpu.vector_load %arg7[%swap3A_111, %swap3A_112] {strides = array<i32>} : memref<81x128xi32, #tpu.memory_space<vmem>>, vector<16xi32>,
      tpu.vector_store %arg7[%swap3A_111, %swap3A_112], %select_n3A_104 {strides = array<i32>} : memref<81x128xi32, #tpu.memory_space<vmem>>, vector<16xi32>,
      %get3A_114 = arith.index_cast %scan3A_13 : i32 to index
      %get3A_115 = arith.constant 48 : index
      %get3A_116 = tpu.vector_load %arg5[%get3A_114, %get3A_115] {strides = array<i32>} : memref<81x128xi32, #tpu.memory_space<vmem>>, vector<16xi32>,
      %get3A_117 = arith.index_cast %scan3A_13 : i32 to index
      %get3A_118 = arith.constant 48 : index
      %get3A_119 = tpu.vector_load %arg6[%get3A_117, %get3A_118] {strides = array<i32>} : memref<81x128xi32, #tpu.memory_space<vmem>>, vector<16xi32>,
      %ne3A_120 = arith.cmpi ne, %get3A_116, %get3A_119 : vector<16xi32>
      %jit3A_121 = arith.constant 1.000000e+00 : f32
      %jit3A_122 = arith.constant 0.000000e+00 : f32
      %broadcast_in_dim3A_123 = vector.broadcast %jit3A_121 : f32 to vector<16xf32>
      %broadcast_in_dim3A_124 = vector.broadcast %jit3A_122 : f32 to vector<16xf32>
      %select_n3A_125 = arith.select %ne3A_120, %broadcast_in_dim3A_123, %broadcast_in_dim3A_124 : vector<16xi1>, vector<16xf32>
      %mul3A_126 = arith.constant 8 : i32
      %mul3A_127 = arith.muli %scan3A_13, %mul3A_126 : i32
      %add3A_128 = arith.constant 3 : i32
      %add3A_129 = arith.addi %mul3A_127, %add3A_128 : i32
      %mul3A_130 = arith.constant 16 : i32
      %mul3A_131 = arith.muli %add3A_129, %mul3A_130 : i32
      %add3A_132 = vector.broadcast %mul3A_131 : i32 to vector<16xi32>
      %add3A_133 = arith.addi %iota3A, %add3A_132 : vector<16xi32>
      %and3A_134 = arith.constant 63 : i32
      %and3A_135 = vector.broadcast %and3A_134 : i32 to vector<16xi32>
      %and3A_136 = arith.andi %add3A_133, %and3A_135 : vector<16xi32>
      %add3A_137 = arith.constant 10000 : i32
      %add3A_138 = vector.broadcast %add3A_137 : i32 to vector<16xi32>
      %add3A_139 = arith.addi %add3A_138, %and3A_136 : vector<16xi32>
      %select_n3A_140 = arith.select %ne3A_120, %get3A_119, %add3A_139 : vector<16xi1>, vector<16xi32>
      %shift_right_arithmetic3A_141 = arith.constant 7 : i32
      %shift_right_arithmetic3A_142 = vector.broadcast %shift_right_arithmetic3A_141 : i32 to vector<16xi32>
      %shift_right_arithmetic3A_143 = arith.shrsi %select_n3A_140, %shift_right_arithmetic3A_142 : vector<16xi32>
      %and3A_144 = arith.constant 127 : i32
      %and3A_145 = vector.broadcast %and3A_144 : i32 to vector<16xi32>
      %and3A_146 = arith.andi %select_n3A_140, %and3A_145 : vector<16xi32>
      tpu.vector_store_idx %arg8[%shift_right_arithmetic3A_143, %and3A_146], %select_n3A_125 {add = true} : memref<80x128xf32, #tpu.memory_space<vmem>>[vector<16xi32>, vector<16xi32>], vector<16xf32>,
      %swap3A_147 = arith.index_cast %scan3A_13 : i32 to index
      %swap3A_148 = arith.constant 48 : index
      %swap3A_149 = tpu.vector_load %arg7[%swap3A_147, %swap3A_148] {strides = array<i32>} : memref<81x128xi32, #tpu.memory_space<vmem>>, vector<16xi32>,
      tpu.vector_store %arg7[%swap3A_147, %swap3A_148], %select_n3A_140 {strides = array<i32>} : memref<81x128xi32, #tpu.memory_space<vmem>>, vector<16xi32>,
      %get3A_150 = arith.index_cast %scan3A_13 : i32 to index
      %get3A_151 = arith.constant 64 : index
      %get3A_152 = tpu.vector_load %arg5[%get3A_150, %get3A_151] {strides = array<i32>} : memref<81x128xi32, #tpu.memory_space<vmem>>, vector<16xi32>,
      %get3A_153 = arith.index_cast %scan3A_13 : i32 to index
      %get3A_154 = arith.constant 64 : index
      %get3A_155 = tpu.vector_load %arg6[%get3A_153, %get3A_154] {strides = array<i32>} : memref<81x128xi32, #tpu.memory_space<vmem>>, vector<16xi32>,
      %ne3A_156 = arith.cmpi ne, %get3A_152, %get3A_155 : vector<16xi32>
      %jit3A_157 = arith.constant 1.000000e+00 : f32
      %jit3A_158 = arith.constant 0.000000e+00 : f32
      %broadcast_in_dim3A_159 = vector.broadcast %jit3A_157 : f32 to vector<16xf32>
      %broadcast_in_dim3A_160 = vector.broadcast %jit3A_158 : f32 to vector<16xf32>
      %select_n3A_161 = arith.select %ne3A_156, %broadcast_in_dim3A_159, %broadcast_in_dim3A_160 : vector<16xi1>, vector<16xf32>
      %mul3A_162 = arith.constant 8 : i32
      %mul3A_163 = arith.muli %scan3A_13, %mul3A_162 : i32
      %add3A_164 = arith.constant 4 : i32
      %add3A_165 = arith.addi %mul3A_163, %add3A_164 : i32
      %mul3A_166 = arith.constant 16 : i32
      %mul3A_167 = arith.muli %add3A_165, %mul3A_166 : i32
      %add3A_168 = vector.broadcast %mul3A_167 : i32 to vector<16xi32>
      %add3A_169 = arith.addi %iota3A, %add3A_168 : vector<16xi32>
      %and3A_170 = arith.constant 63 : i32
      %and3A_171 = vector.broadcast %and3A_170 : i32 to vector<16xi32>
      %and3A_172 = arith.andi %add3A_169, %and3A_171 : vector<16xi32>
      %add3A_173 = arith.constant 10000 : i32
      %add3A_174 = vector.broadcast %add3A_173 : i32 to vector<16xi32>
      %add3A_175 = arith.addi %add3A_174, %and3A_172 : vector<16xi32>
      %select_n3A_176 = arith.select %ne3A_156, %get3A_155, %add3A_175 : vector<16xi1>, vector<16xi32>
      %shift_right_arithmetic3A_177 = arith.constant 7 : i32
      %shift_right_arithmetic3A_178 = vector.broadcast %shift_right_arithmetic3A_177 : i32 to vector<16xi32>
      %shift_right_arithmetic3A_179 = arith.shrsi %select_n3A_176, %shift_right_arithmetic3A_178 : vector<16xi32>
      %and3A_180 = arith.constant 127 : i32
      %and3A_181 = vector.broadcast %and3A_180 : i32 to vector<16xi32>
      %and3A_182 = arith.andi %select_n3A_176, %and3A_181 : vector<16xi32>
      tpu.vector_store_idx %arg8[%shift_right_arithmetic3A_179, %and3A_182], %select_n3A_161 {add = true} : memref<80x128xf32, #tpu.memory_space<vmem>>[vector<16xi32>, vector<16xi32>], vector<16xf32>,
      %swap3A_183 = arith.index_cast %scan3A_13 : i32 to index
      %swap3A_184 = arith.constant 64 : index
      %swap3A_185 = tpu.vector_load %arg7[%swap3A_183, %swap3A_184] {strides = array<i32>} : memref<81x128xi32, #tpu.memory_space<vmem>>, vector<16xi32>,
      tpu.vector_store %arg7[%swap3A_183, %swap3A_184], %select_n3A_176 {strides = array<i32>} : memref<81x128xi32, #tpu.memory_space<vmem>>, vector<16xi32>,
      %get3A_186 = arith.index_cast %scan3A_13 : i32 to index
      %get3A_187 = arith.constant 80 : index
      %get3A_188 = tpu.vector_load %arg5[%get3A_186, %get3A_187] {strides = array<i32>} : memref<81x128xi32, #tpu.memory_space<vmem>>, vector<16xi32>,
      %get3A_189 = arith.index_cast %scan3A_13 : i32 to index
      %get3A_190 = arith.constant 80 : index
      %get3A_191 = tpu.vector_load %arg6[%get3A_189, %get3A_190] {strides = array<i32>} : memref<81x128xi32, #tpu.memory_space<vmem>>, vector<16xi32>,
      %ne3A_192 = arith.cmpi ne, %get3A_188, %get3A_191 : vector<16xi32>
      %jit3A_193 = arith.constant 1.000000e+00 : f32
      %jit3A_194 = arith.constant 0.000000e+00 : f32
      %broadcast_in_dim3A_195 = vector.broadcast %jit3A_193 : f32 to vector<16xf32>
      %broadcast_in_dim3A_196 = vector.broadcast %jit3A_194 : f32 to vector<16xf32>
      %select_n3A_197 = arith.select %ne3A_192, %broadcast_in_dim3A_195, %broadcast_in_dim3A_196 : vector<16xi1>, vector<16xf32>
      %mul3A_198 = arith.constant 8 : i32
      %mul3A_199 = arith.muli %scan3A_13, %mul3A_198 : i32
      %add3A_200 = arith.constant 5 : i32
      %add3A_201 = arith.addi %mul3A_199, %add3A_200 : i32
      %mul3A_202 = arith.constant 16 : i32
      %mul3A_203 = arith.muli %add3A_201, %mul3A_202 : i32
      %add3A_204 = vector.broadcast %mul3A_203 : i32 to vector<16xi32>
      %add3A_205 = arith.addi %iota3A, %add3A_204 : vector<16xi32>
      %and3A_206 = arith.constant 63 : i32
      %and3A_207 = vector.broadcast %and3A_206 : i32 to vector<16xi32>
      %and3A_208 = arith.andi %add3A_205, %and3A_207 : vector<16xi32>
      %add3A_209 = arith.constant 10000 : i32
      %add3A_210 = vector.broadcast %add3A_209 : i32 to vector<16xi32>
      %add3A_211 = arith.addi %add3A_210, %and3A_208 : vector<16xi32>
      %select_n3A_212 = arith.select %ne3A_192, %get3A_191, %add3A_211 : vector<16xi1>, vector<16xi32>
      %shift_right_arithmetic3A_213 = arith.constant 7 : i32
      %shift_right_arithmetic3A_214 = vector.broadcast %shift_right_arithmetic3A_213 : i32 to vector<16xi32>
      %shift_right_arithmetic3A_215 = arith.shrsi %select_n3A_212, %shift_right_arithmetic3A_214 : vector<16xi32>
      %and3A_216 = arith.constant 127 : i32
      %and3A_217 = vector.broadcast %and3A_216 : i32 to vector<16xi32>
      %and3A_218 = arith.andi %select_n3A_212, %and3A_217 : vector<16xi32>
      tpu.vector_store_idx %arg8[%shift_right_arithmetic3A_215, %and3A_218], %select_n3A_197 {add = true} : memref<80x128xf32, #tpu.memory_space<vmem>>[vector<16xi32>, vector<16xi32>], vector<16xf32>,
      %swap3A_219 = arith.index_cast %scan3A_13 : i32 to index
      %swap3A_220 = arith.constant 80 : index
      %swap3A_221 = tpu.vector_load %arg7[%swap3A_219, %swap3A_220] {strides = array<i32>} : memref<81x128xi32, #tpu.memory_space<vmem>>, vector<16xi32>,
      tpu.vector_store %arg7[%swap3A_219, %swap3A_220], %select_n3A_212 {strides = array<i32>} : memref<81x128xi32, #tpu.memory_space<vmem>>, vector<16xi32>,
      %get3A_222 = arith.index_cast %scan3A_13 : i32 to index
      %get3A_223 = arith.constant 96 : index
      %get3A_224 = tpu.vector_load %arg5[%get3A_222, %get3A_223] {strides = array<i32>} : memref<81x128xi32, #tpu.memory_space<vmem>>, vector<16xi32>,
      %get3A_225 = arith.index_cast %scan3A_13 : i32 to index
      %get3A_226 = arith.constant 96 : index
      %get3A_227 = tpu.vector_load %arg6[%get3A_225, %get3A_226] {strides = array<i32>} : memref<81x128xi32, #tpu.memory_space<vmem>>, vector<16xi32>,
      %ne3A_228 = arith.cmpi ne, %get3A_224, %get3A_227 : vector<16xi32>
      %jit3A_229 = arith.constant 1.000000e+00 : f32
      %jit3A_230 = arith.constant 0.000000e+00 : f32
      %broadcast_in_dim3A_231 = vector.broadcast %jit3A_229 : f32 to vector<16xf32>
      %broadcast_in_dim3A_232 = vector.broadcast %jit3A_230 : f32 to vector<16xf32>
      %select_n3A_233 = arith.select %ne3A_228, %broadcast_in_dim3A_231, %broadcast_in_dim3A_232 : vector<16xi1>, vector<16xf32>
      %mul3A_234 = arith.constant 8 : i32
      %mul3A_235 = arith.muli %scan3A_13, %mul3A_234 : i32
      %add3A_236 = arith.constant 6 : i32
      %add3A_237 = arith.addi %mul3A_235, %add3A_236 : i32
      %mul3A_238 = arith.constant 16 : i32
      %mul3A_239 = arith.muli %add3A_237, %mul3A_238 : i32
      %add3A_240 = vector.broadcast %mul3A_239 : i32 to vector<16xi32>
      %add3A_241 = arith.addi %iota3A, %add3A_240 : vector<16xi32>
      %and3A_242 = arith.constant 63 : i32
      %and3A_243 = vector.broadcast %and3A_242 : i32 to vector<16xi32>
      %and3A_244 = arith.andi %add3A_241, %and3A_243 : vector<16xi32>
      %add3A_245 = arith.constant 10000 : i32
      %add3A_246 = vector.broadcast %add3A_245 : i32 to vector<16xi32>
      %add3A_247 = arith.addi %add3A_246, %and3A_244 : vector<16xi32>
      %select_n3A_248 = arith.select %ne3A_228, %get3A_227, %add3A_247 : vector<16xi1>, vector<16xi32>
      %shift_right_arithmetic3A_249 = arith.constant 7 : i32
      %shift_right_arithmetic3A_250 = vector.broadcast %shift_right_arithmetic3A_249 : i32 to vector<16xi32>
      %shift_right_arithmetic3A_251 = arith.shrsi %select_n3A_248, %shift_right_arithmetic3A_250 : vector<16xi32>
      %and3A_252 = arith.constant 127 : i32
      %and3A_253 = vector.broadcast %and3A_252 : i32 to vector<16xi32>
      %and3A_254 = arith.andi %select_n3A_248, %and3A_253 : vector<16xi32>
      tpu.vector_store_idx %arg8[%shift_right_arithmetic3A_251, %and3A_254], %select_n3A_233 {add = true} : memref<80x128xf32, #tpu.memory_space<vmem>>[vector<16xi32>, vector<16xi32>], vector<16xf32>,
      %swap3A_255 = arith.index_cast %scan3A_13 : i32 to index
      %swap3A_256 = arith.constant 96 : index
      %swap3A_257 = tpu.vector_load %arg7[%swap3A_255, %swap3A_256] {strides = array<i32>} : memref<81x128xi32, #tpu.memory_space<vmem>>, vector<16xi32>,
      tpu.vector_store %arg7[%swap3A_255, %swap3A_256], %select_n3A_248 {strides = array<i32>} : memref<81x128xi32, #tpu.memory_space<vmem>>, vector<16xi32>,
      %get3A_258 = arith.index_cast %scan3A_13 : i32 to index
      %get3A_259 = arith.constant 112 : index
      %get3A_260 = tpu.vector_load %arg5[%get3A_258, %get3A_259] {strides = array<i32>} : memref<81x128xi32, #tpu.memory_space<vmem>>, vector<16xi32>,
      %get3A_261 = arith.index_cast %scan3A_13 : i32 to index
      %get3A_262 = arith.constant 112 : index
      %get3A_263 = tpu.vector_load %arg6[%get3A_261, %get3A_262] {strides = array<i32>} : memref<81x128xi32, #tpu.memory_space<vmem>>, vector<16xi32>,
      %ne3A_264 = arith.cmpi ne, %get3A_260, %get3A_263 : vector<16xi32>
      %jit3A_265 = arith.constant 1.000000e+00 : f32
      %jit3A_266 = arith.constant 0.000000e+00 : f32
      %broadcast_in_dim3A_267 = vector.broadcast %jit3A_265 : f32 to vector<16xf32>
      %broadcast_in_dim3A_268 = vector.broadcast %jit3A_266 : f32 to vector<16xf32>
      %select_n3A_269 = arith.select %ne3A_264, %broadcast_in_dim3A_267, %broadcast_in_dim3A_268 : vector<16xi1>, vector<16xf32>
      %mul3A_270 = arith.constant 8 : i32
      %mul3A_271 = arith.muli %scan3A_13, %mul3A_270 : i32
      %add3A_272 = arith.constant 7 : i32
      %add3A_273 = arith.addi %mul3A_271, %add3A_272 : i32
      %mul3A_274 = arith.constant 16 : i32
      %mul3A_275 = arith.muli %add3A_273, %mul3A_274 : i32
      %add3A_276 = vector.broadcast %mul3A_275 : i32 to vector<16xi32>
      %add3A_277 = arith.addi %iota3A, %add3A_276 : vector<16xi32>
      %and3A_278 = arith.constant 63 : i32
      %and3A_279 = vector.broadcast %and3A_278 : i32 to vector<16xi32>
      %and3A_280 = arith.andi %add3A_277, %and3A_279 : vector<16xi32>
      %add3A_281 = arith.constant 10000 : i32
      %add3A_282 = vector.broadcast %add3A_281 : i32 to vector<16xi32>
      %add3A_283 = arith.addi %add3A_282, %and3A_280 : vector<16xi32>
      %select_n3A_284 = arith.select %ne3A_264, %get3A_263, %add3A_283 : vector<16xi1>, vector<16xi32>
      %shift_right_arithmetic3A_285 = arith.constant 7 : i32
      %shift_right_arithmetic3A_286 = vector.broadcast %shift_right_arithmetic3A_285 : i32 to vector<16xi32>
      %shift_right_arithmetic3A_287 = arith.shrsi %select_n3A_284, %shift_right_arithmetic3A_286 : vector<16xi32>
      %and3A_288 = arith.constant 127 : i32
      %and3A_289 = vector.broadcast %and3A_288 : i32 to vector<16xi32>
      %and3A_290 = arith.andi %select_n3A_284, %and3A_289 : vector<16xi32>
      tpu.vector_store_idx %arg8[%shift_right_arithmetic3A_287, %and3A_290], %select_n3A_269 {add = true} : memref<80x128xf32, #tpu.memory_space<vmem>>[vector<16xi32>, vector<16xi32>], vector<16xf32>,
      %swap3A_291 = arith.index_cast %scan3A_13 : i32 to index
      %swap3A_292 = arith.constant 112 : index
      %swap3A_293 = tpu.vector_load %arg7[%swap3A_291, %swap3A_292] {strides = array<i32>} : memref<81x128xi32, #tpu.memory_space<vmem>>, vector<16xi32>,
      tpu.vector_store %arg7[%swap3A_291, %swap3A_292], %select_n3A_284 {strides = array<i32>} : memref<81x128xi32, #tpu.memory_space<vmem>>, vector<16xi32>,
    }
    %scan3A_12 = arith.constant 81 : i32
    "tpu.region"() ({
      %run_scoped3A_13 = tpu.sem_alloc : memref<!tpu.dma_semaphore, #tpu.memory_space<semaphore_mem>>
      %dma_start3A = arith.constant 0 : i32
      %dma_start3A_14 = arith.constant 0 : i32
      %dma_start3A_15 = tpu.memref_slice %arg3[%add3A, %dma_start3A, %dma_start3A_14] : memref<32x80x128xf32, #tpu.memory_space<hbm>> -> memref<1x80x128xf32, #tpu.memory_space<hbm>>
      %dma_start3A_16 = tpu.memref_squeeze %dma_start3A_15 : memref<1x80x128xf32, #tpu.memory_space<hbm>> -> memref<80x128xf32, #tpu.memory_space<hbm>>
      %dma_start3A_17 = arith.constant 0 : i32
      %dma_start3A_18 = arith.constant 0 : i32
      %dma_start3A_19 = tpu.memref_slice %arg3[%add3A, %dma_start3A_17, %dma_start3A_18] : memref<32x80x128xf32, #tpu.memory_space<hbm>> -> memref<1x80x128xf32, #tpu.memory_space<hbm>>
      %dma_start3A_20 = tpu.memref_squeeze %dma_start3A_19 : memref<1x80x128xf32, #tpu.memory_space<hbm>> -> memref<80x128xf32, #tpu.memory_space<hbm>>
      tpu.enqueue_dma source(%arg8 : memref<80x128xf32, #tpu.memory_space<vmem>>) target(%dma_start3A_20 : memref<80x128xf32, #tpu.memory_space<hbm>>) target_semaphore(%run_scoped3A_13 : memref<!tpu.dma_semaphore, #tpu.memory_space<semaphore_mem>>)
      %dma_wait3A = arith.constant 0 : i32
      %dma_wait3A_21 = arith.constant 0 : i32
      %dma_wait3A_22 = tpu.memref_slice %arg3[%add3A, %dma_wait3A, %dma_wait3A_21] : memref<32x80x128xf32, #tpu.memory_space<hbm>> -> memref<1x80x128xf32, #tpu.memory_space<hbm>>
      %dma_wait3A_23 = tpu.memref_squeeze %dma_wait3A_22 : memref<1x80x128xf32, #tpu.memory_space<hbm>> -> memref<80x128xf32, #tpu.memory_space<hbm>>
      %dma_wait3A_24 = arith.constant 0 : i32
      %dma_wait3A_25 = arith.constant 0 : i32
      %dma_wait3A_26 = tpu.memref_slice %arg3[%add3A, %dma_wait3A_24, %dma_wait3A_25] : memref<32x80x128xf32, #tpu.memory_space<hbm>> -> memref<1x80x128xf32, #tpu.memory_space<hbm>>
      %dma_wait3A_27 = tpu.memref_squeeze %dma_wait3A_26 : memref<1x80x128xf32, #tpu.memory_space<hbm>> -> memref<80x128xf32, #tpu.memory_space<hbm>>
      tpu.wait_dma2 semaphore(%run_scoped3A_13 : memref<!tpu.dma_semaphore, #tpu.memory_space<semaphore_mem>>) src(%arg8 : memref<80x128xf32, #tpu.memory_space<vmem>>) dst(%dma_wait3A_27 : memref<80x128xf32, #tpu.memory_space<hbm>>)
      tpu.yield
    }) : () -> ()
    "tpu.region"() ({
      %run_scoped3A_13 = tpu.sem_alloc : memref<!tpu.dma_semaphore, #tpu.memory_space<semaphore_mem>>
      %dma_start3A = arith.constant 0 : i32
      %dma_start3A_14 = arith.constant 0 : i32
      %dma_start3A_15 = tpu.memref_slice %arg4[%add3A, %dma_start3A, %dma_start3A_14] : memref<32x81x128xi32, #tpu.memory_space<hbm>> -> memref<1x81x128xi32, #tpu.memory_space<hbm>>
      %dma_start3A_16 = tpu.memref_squeeze %dma_start3A_15 : memref<1x81x128xi32, #tpu.memory_space<hbm>> -> memref<81x128xi32, #tpu.memory_space<hbm>>
      %dma_start3A_17 = arith.constant 0 : i32
      %dma_start3A_18 = arith.constant 0 : i32
      %dma_start3A_19 = tpu.memref_slice %arg4[%add3A, %dma_start3A_17, %dma_start3A_18] : memref<32x81x128xi32, #tpu.memory_space<hbm>> -> memref<1x81x128xi32, #tpu.memory_space<hbm>>
      %dma_start3A_20 = tpu.memref_squeeze %dma_start3A_19 : memref<1x81x128xi32, #tpu.memory_space<hbm>> -> memref<81x128xi32, #tpu.memory_space<hbm>>
      tpu.enqueue_dma source(%arg7 : memref<81x128xi32, #tpu.memory_space<vmem>>) target(%dma_start3A_20 : memref<81x128xi32, #tpu.memory_space<hbm>>) target_semaphore(%run_scoped3A_13 : memref<!tpu.dma_semaphore, #tpu.memory_space<semaphore_mem>>)
      %dma_wait3A = arith.constant 0 : i32
      %dma_wait3A_21 = arith.constant 0 : i32
      %dma_wait3A_22 = tpu.memref_slice %arg4[%add3A, %dma_wait3A, %dma_wait3A_21] : memref<32x81x128xi32, #tpu.memory_space<hbm>> -> memref<1x81x128xi32, #tpu.memory_space<hbm>>
      %dma_wait3A_23 = tpu.memref_squeeze %dma_wait3A_22 : memref<1x81x128xi32, #tpu.memory_space<hbm>> -> memref<81x128xi32, #tpu.memory_space<hbm>>
      %dma_wait3A_24 = arith.constant 0 : i32
      %dma_wait3A_25 = arith.constant 0 : i32
      %dma_wait3A_26 = tpu.memref_slice %arg4[%add3A, %dma_wait3A_24, %dma_wait3A_25] : memref<32x81x128xi32, #tpu.memory_space<hbm>> -> memref<1x81x128xi32, #tpu.memory_space<hbm>>
      %dma_wait3A_27 = tpu.memref_squeeze %dma_wait3A_26 : memref<1x81x128xi32, #tpu.memory_space<hbm>> -> memref<81x128xi32, #tpu.memory_space<hbm>>
      tpu.wait_dma2 semaphore(%run_scoped3A_13 : memref<!tpu.dma_semaphore, #tpu.memory_space<semaphore_mem>>) src(%arg7 : memref<81x128xi32, #tpu.memory_space<vmem>>) dst(%dma_wait3A_27 : memref<81x128xi32, #tpu.memory_space<hbm>>)
      tpu.yield
    }) : () -> ()
    return
  }
}

#map = affine_map<(d0, d1) -> (0, 0, 0, 0)>
#map1 = affine_map<(d0, d1) -> (0, 0, 0)>
#map2 = affine_map<(d0, d1) -> (0, 0)>
module attributes {stable_mosaic.version = 14 : i64} {
  func.func @_s2_body(%arg0: i32, %arg1: i32, %arg2: memref<2x32x81x128xi32, #tpu.memory_space<hbm>>, %arg3: memref<32x81x128xi32, #tpu.memory_space<hbm>>, %arg4: memref<10000x128xbf16, #tpu.memory_space<hbm>>, %arg5: memref<2x10000x128xbf16, #tpu.memory_space<hbm>>, %arg6: memref<81x128xi32, #tpu.memory_space<vmem>>, %arg7: memref<81x128xi32, #tpu.memory_space<vmem>>, %arg8: memref<128x128xbf16, #tpu.memory_space<vmem>>, %arg9: memref<128x128xbf16, #tpu.memory_space<vmem>>, %arg10: memref<128x128xbf16, #tpu.memory_space<vmem>>, %arg11: memref<!tpu.dma_semaphore, #tpu.memory_space<semaphore_mem>>, %arg12: memref<!tpu.dma_semaphore, #tpu.memory_space<semaphore_mem>>, %arg13: memref<!tpu.dma_semaphore, #tpu.memory_space<semaphore_mem>>, %arg14: memref<!tpu.dma_semaphore, #tpu.memory_space<semaphore_mem>>, %arg15: memref<!tpu.dma_semaphore, #tpu.memory_space<semaphore_mem>>, %arg16: memref<!tpu.dma_semaphore, #tpu.memory_space<semaphore_mem>>, %arg17: memref<!tpu.dma_semaphore, #tpu.memory_space<semaphore_mem>>, %arg18: memref<10112x128xbf16, #tpu.memory_space<vmem_shared>>, %arg19: memref<10000x128xbf16, #tpu.memory_space<vmem_shared>>) attributes {dimension_semantics = [#tpu.dimension_semantics<core_parallel>, #tpu.dimension_semantics<subcore_parallel>], iteration_bounds = array<i64: 2, 16>, scalar_prefetch = 0 : i64, scratch_operands = 14 : i64, tpu.core_type = #tpu.core_type<sc_vector_subcore>, window_params = [{transform_indices = #map}, {transform_indices = #map1}, {transform_indices = #map2}, {transform_indices = #map1}]} {
    %mul3A = arith.constant 2 : i32
    %mul3A_0 = arith.muli %arg1, %mul3A : i32
    %add3A = arith.addi %mul3A_0, %arg0 : i32
    %mul3A_1 = arith.constant 624 : i32
    %mul3A_2 = arith.muli %arg1, %mul3A_1 : i32
    %mul3A_3 = arith.constant 624 : i32
    %mul3A_4 = arith.muli %arg1, %mul3A_3 : i32
    %dma_start3A = arith.constant 0 : i32
    %dma_start3A_5 = tpu.memref_slice %arg19[%mul3A_4, %dma_start3A] : memref<10000x128xbf16, #tpu.memory_space<vmem_shared>> -> memref<624x128xbf16, #tpu.memory_space<vmem_shared>>
    %dma_start3A_6 = arith.constant 0 : i32
    %dma_start3A_7 = tpu.memref_slice %arg4[%mul3A_2, %dma_start3A_6] : memref<10000x128xbf16, #tpu.memory_space<hbm>> -> memref<624x128xbf16, #tpu.memory_space<hbm>>
    tpu.enqueue_dma source(%dma_start3A_7 : memref<624x128xbf16, #tpu.memory_space<hbm>>) target(%dma_start3A_5 : memref<624x128xbf16, #tpu.memory_space<vmem_shared>>) target_semaphore(%arg17 : memref<!tpu.dma_semaphore, #tpu.memory_space<semaphore_mem>>)
    %run_scoped3A = arith.constant 0 : i32
    "tpu.region"() ({
      %run_scoped3A_89 = tpu.sem_alloc : memref<!tpu.dma_semaphore, #tpu.memory_space<semaphore_mem>>
      %dma_start3A_90 = arith.constant 0 : i32
      %dma_start3A_91 = arith.constant 0 : i32
      %dma_start3A_92 = tpu.memref_slice %arg2[%run_scoped3A, %add3A, %dma_start3A_90, %dma_start3A_91] : memref<2x32x81x128xi32, #tpu.memory_space<hbm>> -> memref<1x1x81x128xi32, #tpu.memory_space<hbm>>
      %dma_start3A_93 = tpu.memref_squeeze %dma_start3A_92 : memref<1x1x81x128xi32, #tpu.memory_space<hbm>> -> memref<81x128xi32, #tpu.memory_space<hbm>>
      %dma_start3A_94 = arith.constant 0 : i32
      %dma_start3A_95 = arith.constant 0 : i32
      %dma_start3A_96 = tpu.memref_slice %arg2[%run_scoped3A, %add3A, %dma_start3A_94, %dma_start3A_95] : memref<2x32x81x128xi32, #tpu.memory_space<hbm>> -> memref<1x1x81x128xi32, #tpu.memory_space<hbm>>
      %dma_start3A_97 = tpu.memref_squeeze %dma_start3A_96 : memref<1x1x81x128xi32, #tpu.memory_space<hbm>> -> memref<81x128xi32, #tpu.memory_space<hbm>>
      tpu.enqueue_dma source(%dma_start3A_97 : memref<81x128xi32, #tpu.memory_space<hbm>>) target(%arg6 : memref<81x128xi32, #tpu.memory_space<vmem>>) target_semaphore(%run_scoped3A_89 : memref<!tpu.dma_semaphore, #tpu.memory_space<semaphore_mem>>)
      %dma_wait3A_98 = arith.constant 0 : i32
      %dma_wait3A_99 = arith.constant 0 : i32
      %dma_wait3A_100 = tpu.memref_slice %arg2[%run_scoped3A, %add3A, %dma_wait3A_98, %dma_wait3A_99] : memref<2x32x81x128xi32, #tpu.memory_space<hbm>> -> memref<1x1x81x128xi32, #tpu.memory_space<hbm>>
      %dma_wait3A_101 = tpu.memref_squeeze %dma_wait3A_100 : memref<1x1x81x128xi32, #tpu.memory_space<hbm>> -> memref<81x128xi32, #tpu.memory_space<hbm>>
      %dma_wait3A_102 = arith.constant 0 : i32
      %dma_wait3A_103 = arith.constant 0 : i32
      %dma_wait3A_104 = tpu.memref_slice %arg2[%run_scoped3A, %add3A, %dma_wait3A_102, %dma_wait3A_103] : memref<2x32x81x128xi32, #tpu.memory_space<hbm>> -> memref<1x1x81x128xi32, #tpu.memory_space<hbm>>
      %dma_wait3A_105 = tpu.memref_squeeze %dma_wait3A_104 : memref<1x1x81x128xi32, #tpu.memory_space<hbm>> -> memref<81x128xi32, #tpu.memory_space<hbm>>
      tpu.wait_dma2 semaphore(%run_scoped3A_89 : memref<!tpu.dma_semaphore, #tpu.memory_space<semaphore_mem>>) src(%dma_wait3A_105 : memref<81x128xi32, #tpu.memory_space<hbm>>) dst(%arg6 : memref<81x128xi32, #tpu.memory_space<vmem>>)
      tpu.yield
    }) : () -> ()
    "tpu.region"() ({
      %run_scoped3A_89 = tpu.sem_alloc : memref<!tpu.dma_semaphore, #tpu.memory_space<semaphore_mem>>
      %dma_start3A_90 = arith.constant 0 : i32
      %dma_start3A_91 = arith.constant 0 : i32
      %dma_start3A_92 = tpu.memref_slice %arg3[%add3A, %dma_start3A_90, %dma_start3A_91] : memref<32x81x128xi32, #tpu.memory_space<hbm>> -> memref<1x81x128xi32, #tpu.memory_space<hbm>>
      %dma_start3A_93 = tpu.memref_squeeze %dma_start3A_92 : memref<1x81x128xi32, #tpu.memory_space<hbm>> -> memref<81x128xi32, #tpu.memory_space<hbm>>
      %dma_start3A_94 = arith.constant 0 : i32
      %dma_start3A_95 = arith.constant 0 : i32
      %dma_start3A_96 = tpu.memref_slice %arg3[%add3A, %dma_start3A_94, %dma_start3A_95] : memref<32x81x128xi32, #tpu.memory_space<hbm>> -> memref<1x81x128xi32, #tpu.memory_space<hbm>>
      %dma_start3A_97 = tpu.memref_squeeze %dma_start3A_96 : memref<1x81x128xi32, #tpu.memory_space<hbm>> -> memref<81x128xi32, #tpu.memory_space<hbm>>
      tpu.enqueue_dma source(%dma_start3A_97 : memref<81x128xi32, #tpu.memory_space<hbm>>) target(%arg7 : memref<81x128xi32, #tpu.memory_space<vmem>>) target_semaphore(%run_scoped3A_89 : memref<!tpu.dma_semaphore, #tpu.memory_space<semaphore_mem>>)
      %dma_wait3A_98 = arith.constant 0 : i32
      %dma_wait3A_99 = arith.constant 0 : i32
      %dma_wait3A_100 = tpu.memref_slice %arg3[%add3A, %dma_wait3A_98, %dma_wait3A_99] : memref<32x81x128xi32, #tpu.memory_space<hbm>> -> memref<1x81x128xi32, #tpu.memory_space<hbm>>
      %dma_wait3A_101 = tpu.memref_squeeze %dma_wait3A_100 : memref<1x81x128xi32, #tpu.memory_space<hbm>> -> memref<81x128xi32, #tpu.memory_space<hbm>>
      %dma_wait3A_102 = arith.constant 0 : i32
      %dma_wait3A_103 = arith.constant 0 : i32
      %dma_wait3A_104 = tpu.memref_slice %arg3[%add3A, %dma_wait3A_102, %dma_wait3A_103] : memref<32x81x128xi32, #tpu.memory_space<hbm>> -> memref<1x81x128xi32, #tpu.memory_space<hbm>>
      %dma_wait3A_105 = tpu.memref_squeeze %dma_wait3A_104 : memref<1x81x128xi32, #tpu.memory_space<hbm>> -> memref<81x128xi32, #tpu.memory_space<hbm>>
      tpu.wait_dma2 semaphore(%run_scoped3A_89 : memref<!tpu.dma_semaphore, #tpu.memory_space<semaphore_mem>>) src(%dma_wait3A_105 : memref<81x128xi32, #tpu.memory_space<hbm>>) dst(%arg7 : memref<81x128xi32, #tpu.memory_space<vmem>>)
      tpu.yield
    }) : () -> ()
    %scan3A = arith.constant 0 : i32
    %scan3A_8 = arith.constant 0 : i32
    %scan3A_9 = arith.constant 128 : i32
    %scan3A_10 = arith.addi %scan3A_8, %scan3A_9 : i32
    %scan3A_11 = arith.constant 1 : i32
    scf.for %scan3A_89 = %scan3A_8 to %scan3A_10 step %scan3A_11  : i32 {
      %broadcast_in_dim3A = arith.constant 0.000000e+00 : bf16
      %broadcast_in_dim3A_90 = vector.broadcast %broadcast_in_dim3A : bf16 to vector<32xbf16>
      %swap3A = arith.index_cast %scan3A_89 : i32 to index
      %swap3A_91 = arith.constant 0 : index
      %swap3A_92 = tpu.vector_load %arg8[%swap3A, %swap3A_91] {strides = array<i32>} : memref<128x128xbf16, #tpu.memory_space<vmem>>, vector<32xbf16>,
      tpu.vector_store %arg8[%swap3A, %swap3A_91], %broadcast_in_dim3A_90 {strides = array<i32>} : memref<128x128xbf16, #tpu.memory_space<vmem>>, vector<32xbf16>,
      %broadcast_in_dim3A_93 = arith.constant 0.000000e+00 : bf16
      %broadcast_in_dim3A_94 = vector.broadcast %broadcast_in_dim3A_93 : bf16 to vector<32xbf16>
      %swap3A_95 = arith.index_cast %scan3A_89 : i32 to index
      %swap3A_96 = arith.constant 32 : index
      %swap3A_97 = tpu.vector_load %arg8[%swap3A_95, %swap3A_96] {strides = array<i32>} : memref<128x128xbf16, #tpu.memory_space<vmem>>, vector<32xbf16>,
      tpu.vector_store %arg8[%swap3A_95, %swap3A_96], %broadcast_in_dim3A_94 {strides = array<i32>} : memref<128x128xbf16, #tpu.memory_space<vmem>>, vector<32xbf16>,
      %broadcast_in_dim3A_98 = arith.constant 0.000000e+00 : bf16
      %broadcast_in_dim3A_99 = vector.broadcast %broadcast_in_dim3A_98 : bf16 to vector<32xbf16>
      %swap3A_100 = arith.index_cast %scan3A_89 : i32 to index
      %swap3A_101 = arith.constant 64 : index
      %swap3A_102 = tpu.vector_load %arg8[%swap3A_100, %swap3A_101] {strides = array<i32>} : memref<128x128xbf16, #tpu.memory_space<vmem>>, vector<32xbf16>,
      tpu.vector_store %arg8[%swap3A_100, %swap3A_101], %broadcast_in_dim3A_99 {strides = array<i32>} : memref<128x128xbf16, #tpu.memory_space<vmem>>, vector<32xbf16>,
      %broadcast_in_dim3A_103 = arith.constant 0.000000e+00 : bf16
      %broadcast_in_dim3A_104 = vector.broadcast %broadcast_in_dim3A_103 : bf16 to vector<32xbf16>
      %swap3A_105 = arith.index_cast %scan3A_89 : i32 to index
      %swap3A_106 = arith.constant 96 : index
      %swap3A_107 = tpu.vector_load %arg8[%swap3A_105, %swap3A_106] {strides = array<i32>} : memref<128x128xbf16, #tpu.memory_space<vmem>>, vector<32xbf16>,
      tpu.vector_store %arg8[%swap3A_105, %swap3A_106], %broadcast_in_dim3A_104 {strides = array<i32>} : memref<128x128xbf16, #tpu.memory_space<vmem>>, vector<32xbf16>,
    }
    %scan3A_12 = arith.constant 128 : i32
    %mul3A_13 = arith.constant 624 : i32
    %mul3A_14 = arith.muli %arg1, %mul3A_13 : i32
    %add3A_15 = arith.constant 0 : i32
    %add3A_16 = arith.addi %mul3A_14, %add3A_15 : i32
    "tpu.region"() ({
      %run_scoped3A_89 = tpu.sem_alloc : memref<!tpu.dma_semaphore, #tpu.memory_space<semaphore_mem>>
      %dma_start3A_90 = arith.constant 0 : i32
      %dma_start3A_91 = tpu.memref_slice %arg18[%add3A_16, %dma_start3A_90] : memref<10112x128xbf16, #tpu.memory_space<vmem_shared>> -> memref<128x128xbf16, #tpu.memory_space<vmem_shared>>
      %dma_start3A_92 = arith.constant 0 : i32
      %dma_start3A_93 = tpu.memref_slice %arg18[%add3A_16, %dma_start3A_92] : memref<10112x128xbf16, #tpu.memory_space<vmem_shared>> -> memref<128x128xbf16, #tpu.memory_space<vmem_shared>>
      tpu.enqueue_dma source(%arg8 : memref<128x128xbf16, #tpu.memory_space<vmem>>) target(%dma_start3A_93 : memref<128x128xbf16, #tpu.memory_space<vmem_shared>>) target_semaphore(%run_scoped3A_89 : memref<!tpu.dma_semaphore, #tpu.memory_space<semaphore_mem>>)
      %dma_wait3A_94 = arith.constant 0 : i32
      %dma_wait3A_95 = tpu.memref_slice %arg18[%add3A_16, %dma_wait3A_94] : memref<10112x128xbf16, #tpu.memory_space<vmem_shared>> -> memref<128x128xbf16, #tpu.memory_space<vmem_shared>>
      %dma_wait3A_96 = arith.constant 0 : i32
      %dma_wait3A_97 = tpu.memref_slice %arg18[%add3A_16, %dma_wait3A_96] : memref<10112x128xbf16, #tpu.memory_space<vmem_shared>> -> memref<128x128xbf16, #tpu.memory_space<vmem_shared>>
      tpu.wait_dma2 semaphore(%run_scoped3A_89 : memref<!tpu.dma_semaphore, #tpu.memory_space<semaphore_mem>>) src(%arg8 : memref<128x128xbf16, #tpu.memory_space<vmem>>) dst(%dma_wait3A_97 : memref<128x128xbf16, #tpu.memory_space<vmem_shared>>)
      tpu.yield
    }) : () -> ()
    %add3A_17 = arith.constant 128 : i32
    %add3A_18 = arith.addi %mul3A_14, %add3A_17 : i32
    "tpu.region"() ({
      %run_scoped3A_89 = tpu.sem_alloc : memref<!tpu.dma_semaphore, #tpu.memory_space<semaphore_mem>>
      %dma_start3A_90 = arith.constant 0 : i32
      %dma_start3A_91 = tpu.memref_slice %arg18[%add3A_18, %dma_start3A_90] : memref<10112x128xbf16, #tpu.memory_space<vmem_shared>> -> memref<128x128xbf16, #tpu.memory_space<vmem_shared>>
      %dma_start3A_92 = arith.constant 0 : i32
      %dma_start3A_93 = tpu.memref_slice %arg18[%add3A_18, %dma_start3A_92] : memref<10112x128xbf16, #tpu.memory_space<vmem_shared>> -> memref<128x128xbf16, #tpu.memory_space<vmem_shared>>
      tpu.enqueue_dma source(%arg8 : memref<128x128xbf16, #tpu.memory_space<vmem>>) target(%dma_start3A_93 : memref<128x128xbf16, #tpu.memory_space<vmem_shared>>) target_semaphore(%run_scoped3A_89 : memref<!tpu.dma_semaphore, #tpu.memory_space<semaphore_mem>>)
      %dma_wait3A_94 = arith.constant 0 : i32
      %dma_wait3A_95 = tpu.memref_slice %arg18[%add3A_18, %dma_wait3A_94] : memref<10112x128xbf16, #tpu.memory_space<vmem_shared>> -> memref<128x128xbf16, #tpu.memory_space<vmem_shared>>
      %dma_wait3A_96 = arith.constant 0 : i32
      %dma_wait3A_97 = tpu.memref_slice %arg18[%add3A_18, %dma_wait3A_96] : memref<10112x128xbf16, #tpu.memory_space<vmem_shared>> -> memref<128x128xbf16, #tpu.memory_space<vmem_shared>>
      tpu.wait_dma2 semaphore(%run_scoped3A_89 : memref<!tpu.dma_semaphore, #tpu.memory_space<semaphore_mem>>) src(%arg8 : memref<128x128xbf16, #tpu.memory_space<vmem>>) dst(%dma_wait3A_97 : memref<128x128xbf16, #tpu.memory_space<vmem_shared>>)
      tpu.yield
    }) : () -> ()
    %add3A_19 = arith.constant 256 : i32
    %add3A_20 = arith.addi %mul3A_14, %add3A_19 : i32
    "tpu.region"() ({
      %run_scoped3A_89 = tpu.sem_alloc : memref<!tpu.dma_semaphore, #tpu.memory_space<semaphore_mem>>
      %dma_start3A_90 = arith.constant 0 : i32
      %dma_start3A_91 = tpu.memref_slice %arg18[%add3A_20, %dma_start3A_90] : memref<10112x128xbf16, #tpu.memory_space<vmem_shared>> -> memref<128x128xbf16, #tpu.memory_space<vmem_shared>>
      %dma_start3A_92 = arith.constant 0 : i32
      %dma_start3A_93 = tpu.memref_slice %arg18[%add3A_20, %dma_start3A_92] : memref<10112x128xbf16, #tpu.memory_space<vmem_shared>> -> memref<128x128xbf16, #tpu.memory_space<vmem_shared>>
      tpu.enqueue_dma source(%arg8 : memref<128x128xbf16, #tpu.memory_space<vmem>>) target(%dma_start3A_93 : memref<128x128xbf16, #tpu.memory_space<vmem_shared>>) target_semaphore(%run_scoped3A_89 : memref<!tpu.dma_semaphore, #tpu.memory_space<semaphore_mem>>)
      %dma_wait3A_94 = arith.constant 0 : i32
      %dma_wait3A_95 = tpu.memref_slice %arg18[%add3A_20, %dma_wait3A_94] : memref<10112x128xbf16, #tpu.memory_space<vmem_shared>> -> memref<128x128xbf16, #tpu.memory_space<vmem_shared>>
      %dma_wait3A_96 = arith.constant 0 : i32
      %dma_wait3A_97 = tpu.memref_slice %arg18[%add3A_20, %dma_wait3A_96] : memref<10112x128xbf16, #tpu.memory_space<vmem_shared>> -> memref<128x128xbf16, #tpu.memory_space<vmem_shared>>
      tpu.wait_dma2 semaphore(%run_scoped3A_89 : memref<!tpu.dma_semaphore, #tpu.memory_space<semaphore_mem>>) src(%arg8 : memref<128x128xbf16, #tpu.memory_space<vmem>>) dst(%dma_wait3A_97 : memref<128x128xbf16, #tpu.memory_space<vmem_shared>>)
      tpu.yield
    }) : () -> ()
    %add3A_21 = arith.constant 384 : i32
    %add3A_22 = arith.addi %mul3A_14, %add3A_21 : i32
    "tpu.region"() ({
      %run_scoped3A_89 = tpu.sem_alloc : memref<!tpu.dma_semaphore, #tpu.memory_space<semaphore_mem>>
      %dma_start3A_90 = arith.constant 0 : i32
      %dma_start3A_91 = tpu.memref_slice %arg18[%add3A_22, %dma_start3A_90] : memref<10112x128xbf16, #tpu.memory_space<vmem_shared>> -> memref<128x128xbf16, #tpu.memory_space<vmem_shared>>
      %dma_start3A_92 = arith.constant 0 : i32
      %dma_start3A_93 = tpu.memref_slice %arg18[%add3A_22, %dma_start3A_92] : memref<10112x128xbf16, #tpu.memory_space<vmem_shared>> -> memref<128x128xbf16, #tpu.memory_space<vmem_shared>>
      tpu.enqueue_dma source(%arg8 : memref<128x128xbf16, #tpu.memory_space<vmem>>) target(%dma_start3A_93 : memref<128x128xbf16, #tpu.memory_space<vmem_shared>>) target_semaphore(%run_scoped3A_89 : memref<!tpu.dma_semaphore, #tpu.memory_space<semaphore_mem>>)
      %dma_wait3A_94 = arith.constant 0 : i32
      %dma_wait3A_95 = tpu.memref_slice %arg18[%add3A_22, %dma_wait3A_94] : memref<10112x128xbf16, #tpu.memory_space<vmem_shared>> -> memref<128x128xbf16, #tpu.memory_space<vmem_shared>>
      %dma_wait3A_96 = arith.constant 0 : i32
      %dma_wait3A_97 = tpu.memref_slice %arg18[%add3A_22, %dma_wait3A_96] : memref<10112x128xbf16, #tpu.memory_space<vmem_shared>> -> memref<128x128xbf16, #tpu.memory_space<vmem_shared>>
      tpu.wait_dma2 semaphore(%run_scoped3A_89 : memref<!tpu.dma_semaphore, #tpu.memory_space<semaphore_mem>>) src(%arg8 : memref<128x128xbf16, #tpu.memory_space<vmem>>) dst(%dma_wait3A_97 : memref<128x128xbf16, #tpu.memory_space<vmem_shared>>)
      tpu.yield
    }) : () -> ()
    %add3A_23 = arith.constant 512 : i32
    %add3A_24 = arith.addi %mul3A_14, %add3A_23 : i32
    "tpu.region"() ({
      %run_scoped3A_89 = tpu.sem_alloc : memref<!tpu.dma_semaphore, #tpu.memory_space<semaphore_mem>>
      %dma_start3A_90 = arith.constant 0 : i32
      %dma_start3A_91 = arith.constant 0 : i32
      %dma_start3A_92 = tpu.memref_slice %arg8[%dma_start3A_90, %dma_start3A_91] : memref<128x128xbf16, #tpu.memory_space<vmem>> -> memref<112x128xbf16, #tpu.memory_space<vmem>>
      %dma_start3A_93 = arith.constant 0 : i32
      %dma_start3A_94 = tpu.memref_slice %arg18[%add3A_24, %dma_start3A_93] : memref<10112x128xbf16, #tpu.memory_space<vmem_shared>> -> memref<112x128xbf16, #tpu.memory_space<vmem_shared>>
      %dma_start3A_95 = arith.constant 0 : i32
      %dma_start3A_96 = tpu.memref_slice %arg18[%add3A_24, %dma_start3A_95] : memref<10112x128xbf16, #tpu.memory_space<vmem_shared>> -> memref<112x128xbf16, #tpu.memory_space<vmem_shared>>
      %dma_start3A_97 = arith.constant 0 : i32
      %dma_start3A_98 = arith.constant 0 : i32
      %dma_start3A_99 = tpu.memref_slice %arg8[%dma_start3A_97, %dma_start3A_98] : memref<128x128xbf16, #tpu.memory_space<vmem>> -> memref<112x128xbf16, #tpu.memory_space<vmem>>
      tpu.enqueue_dma source(%dma_start3A_99 : memref<112x128xbf16, #tpu.memory_space<vmem>>) target(%dma_start3A_96 : memref<112x128xbf16, #tpu.memory_space<vmem_shared>>) target_semaphore(%run_scoped3A_89 : memref<!tpu.dma_semaphore, #tpu.memory_space<semaphore_mem>>)
      %dma_wait3A_100 = arith.constant 0 : i32
      %dma_wait3A_101 = arith.constant 0 : i32
      %dma_wait3A_102 = tpu.memref_slice %arg8[%dma_wait3A_100, %dma_wait3A_101] : memref<128x128xbf16, #tpu.memory_space<vmem>> -> memref<112x128xbf16, #tpu.memory_space<vmem>>
      %dma_wait3A_103 = arith.constant 0 : i32
      %dma_wait3A_104 = tpu.memref_slice %arg18[%add3A_24, %dma_wait3A_103] : memref<10112x128xbf16, #tpu.memory_space<vmem_shared>> -> memref<112x128xbf16, #tpu.memory_space<vmem_shared>>
      %dma_wait3A_105 = arith.constant 0 : i32
      %dma_wait3A_106 = tpu.memref_slice %arg18[%add3A_24, %dma_wait3A_105] : memref<10112x128xbf16, #tpu.memory_space<vmem_shared>> -> memref<112x128xbf16, #tpu.memory_space<vmem_shared>>
      %dma_wait3A_107 = arith.constant 0 : i32
      %dma_wait3A_108 = arith.constant 0 : i32
      %dma_wait3A_109 = tpu.memref_slice %arg8[%dma_wait3A_107, %dma_wait3A_108] : memref<128x128xbf16, #tpu.memory_space<vmem>> -> memref<112x128xbf16, #tpu.memory_space<vmem>>
      tpu.wait_dma2 semaphore(%run_scoped3A_89 : memref<!tpu.dma_semaphore, #tpu.memory_space<semaphore_mem>>) src(%dma_wait3A_109 : memref<112x128xbf16, #tpu.memory_space<vmem>>) dst(%dma_wait3A_106 : memref<112x128xbf16, #tpu.memory_space<vmem_shared>>)
      tpu.yield
    }) : () -> ()
    %eq3A = arith.constant 15 : i32
    %eq3A_25 = arith.cmpi eq, %arg1, %eq3A : i32
    %convert_element_type3A = arith.extui %eq3A_25 : i1 to i32
    %cond3A = arith.constant 0 : i32
    %cond3A_26 = arith.cmpi ne, %convert_element_type3A, %cond3A : i32
    scf.if %cond3A_26 {
      "tpu.region"() ({
        %run_scoped3A_89 = tpu.sem_alloc : memref<!tpu.dma_semaphore, #tpu.memory_space<semaphore_mem>>
        %dma_start3A_90 = arith.constant 9984 : i32
        %dma_start3A_91 = arith.constant 0 : i32
        %dma_start3A_92 = tpu.memref_slice %arg18[%dma_start3A_90, %dma_start3A_91] : memref<10112x128xbf16, #tpu.memory_space<vmem_shared>> -> memref<128x128xbf16, #tpu.memory_space<vmem_shared>>
        %dma_start3A_93 = arith.constant 9984 : i32
        %dma_start3A_94 = arith.constant 0 : i32
        %dma_start3A_95 = tpu.memref_slice %arg18[%dma_start3A_93, %dma_start3A_94] : memref<10112x128xbf16, #tpu.memory_space<vmem_shared>> -> memref<128x128xbf16, #tpu.memory_space<vmem_shared>>
        tpu.enqueue_dma source(%arg8 : memref<128x128xbf16, #tpu.memory_space<vmem>>) target(%dma_start3A_95 : memref<128x128xbf16, #tpu.memory_space<vmem_shared>>) target_semaphore(%run_scoped3A_89 : memref<!tpu.dma_semaphore, #tpu.memory_space<semaphore_mem>>)
        %dma_wait3A_96 = arith.constant 9984 : i32
        %dma_wait3A_97 = arith.constant 0 : i32
        %dma_wait3A_98 = tpu.memref_slice %arg18[%dma_wait3A_96, %dma_wait3A_97] : memref<10112x128xbf16, #tpu.memory_space<vmem_shared>> -> memref<128x128xbf16, #tpu.memory_space<vmem_shared>>
        %dma_wait3A_99 = arith.constant 9984 : i32
        %dma_wait3A_100 = arith.constant 0 : i32
        %dma_wait3A_101 = tpu.memref_slice %arg18[%dma_wait3A_99, %dma_wait3A_100] : memref<10112x128xbf16, #tpu.memory_space<vmem_shared>> -> memref<128x128xbf16, #tpu.memory_space<vmem_shared>>
        tpu.wait_dma2 semaphore(%run_scoped3A_89 : memref<!tpu.dma_semaphore, #tpu.memory_space<semaphore_mem>>) src(%arg8 : memref<128x128xbf16, #tpu.memory_space<vmem>>) dst(%dma_wait3A_101 : memref<128x128xbf16, #tpu.memory_space<vmem_shared>>)
        tpu.yield
      }) : () -> ()
      "tpu.region"() ({
        %run_scoped3A_89 = tpu.sem_alloc : memref<!tpu.dma_semaphore, #tpu.memory_space<semaphore_mem>>
        %dma_start3A_90 = arith.constant 9984 : i32
        %dma_start3A_91 = arith.constant 0 : i32
        %dma_start3A_92 = tpu.memref_slice %arg19[%dma_start3A_90, %dma_start3A_91] : memref<10000x128xbf16, #tpu.memory_space<vmem_shared>> -> memref<16x128xbf16, #tpu.memory_space<vmem_shared>>
        %dma_start3A_93 = arith.constant 9984 : i32
        %dma_start3A_94 = arith.constant 0 : i32
        %dma_start3A_95 = tpu.memref_slice %arg4[%dma_start3A_93, %dma_start3A_94] : memref<10000x128xbf16, #tpu.memory_space<hbm>> -> memref<16x128xbf16, #tpu.memory_space<hbm>>
        tpu.enqueue_dma source(%dma_start3A_95 : memref<16x128xbf16, #tpu.memory_space<hbm>>) target(%dma_start3A_92 : memref<16x128xbf16, #tpu.memory_space<vmem_shared>>) target_semaphore(%run_scoped3A_89 : memref<!tpu.dma_semaphore, #tpu.memory_space<semaphore_mem>>)
        %dma_wait3A_96 = arith.constant 9984 : i32
        %dma_wait3A_97 = arith.constant 0 : i32
        %dma_wait3A_98 = tpu.memref_slice %arg19[%dma_wait3A_96, %dma_wait3A_97] : memref<10000x128xbf16, #tpu.memory_space<vmem_shared>> -> memref<16x128xbf16, #tpu.memory_space<vmem_shared>>
        %dma_wait3A_99 = arith.constant 9984 : i32
        %dma_wait3A_100 = arith.constant 0 : i32
        %dma_wait3A_101 = tpu.memref_slice %arg4[%dma_wait3A_99, %dma_wait3A_100] : memref<10000x128xbf16, #tpu.memory_space<hbm>> -> memref<16x128xbf16, #tpu.memory_space<hbm>>
        tpu.wait_dma2 semaphore(%run_scoped3A_89 : memref<!tpu.dma_semaphore, #tpu.memory_space<semaphore_mem>>) src(%dma_wait3A_101 : memref<16x128xbf16, #tpu.memory_space<hbm>>) dst(%dma_wait3A_98 : memref<16x128xbf16, #tpu.memory_space<vmem_shared>>)
        tpu.yield
      }) : () -> ()
    } else {
    }
    %dma_wait3A = arith.constant 0 : i32
    %dma_wait3A_27 = tpu.memref_slice %arg19[%mul3A_4, %dma_wait3A] : memref<10000x128xbf16, #tpu.memory_space<vmem_shared>> -> memref<624x128xbf16, #tpu.memory_space<vmem_shared>>
    %dma_wait3A_28 = arith.constant 0 : i32
    %dma_wait3A_29 = tpu.memref_slice %arg4[%mul3A_2, %dma_wait3A_28] : memref<10000x128xbf16, #tpu.memory_space<hbm>> -> memref<624x128xbf16, #tpu.memory_space<hbm>>
    tpu.wait_dma2 semaphore(%arg17 : memref<!tpu.dma_semaphore, #tpu.memory_space<semaphore_mem>>) src(%dma_wait3A_29 : memref<624x128xbf16, #tpu.memory_space<hbm>>) dst(%dma_wait3A_27 : memref<624x128xbf16, #tpu.memory_space<vmem_shared>>)
    %barrier3A = arith.constant 0 : index
    tpu.barrier barrier_id(%barrier3A)
    %dma_start3A_30 = arith.constant 0 : i32
    %dma_start3A_31 = arith.constant 0 : i32
    %dma_start3A_32 = tpu.memref_slice %arg6[%dma_start3A_30, %dma_start3A_31] : memref<81x128xi32, #tpu.memory_space<vmem>> -> memref<1x128xi32, #tpu.memory_space<vmem>>
    %dma_start3A_33 = tpu.memref_squeeze %dma_start3A_32 : memref<1x128xi32, #tpu.memory_space<vmem>> -> memref<128xi32, #tpu.memory_space<vmem>>
    %dma_start3A_34 = arith.constant 0 : i32
    %dma_start3A_35 = arith.constant 0 : i32
    %dma_start3A_36 = tpu.memref_slice %arg19[%dma_start3A_34, %dma_start3A_35] : memref<10000x128xbf16, #tpu.memory_space<vmem_shared>> -> memref<10000x128xbf16, #tpu.memory_space<vmem_shared>>
    tpu.enqueue_indirect_dma source(%dma_start3A_36 : memref<10000x128xbf16, #tpu.memory_space<vmem_shared>>) target(%arg8 : memref<128x128xbf16, #tpu.memory_space<vmem>>) offsets(%dma_start3A_33 : memref<128xi32, #tpu.memory_space<vmem>>) semaphore(%arg11 : memref<!tpu.dma_semaphore, #tpu.memory_space<semaphore_mem>>)
    %dma_start3A_37 = arith.constant 1 : i32
    %dma_start3A_38 = arith.constant 0 : i32
    %dma_start3A_39 = tpu.memref_slice %arg6[%dma_start3A_37, %dma_start3A_38] : memref<81x128xi32, #tpu.memory_space<vmem>> -> memref<1x128xi32, #tpu.memory_space<vmem>>
    %dma_start3A_40 = tpu.memref_squeeze %dma_start3A_39 : memref<1x128xi32, #tpu.memory_space<vmem>> -> memref<128xi32, #tpu.memory_space<vmem>>
    %dma_start3A_41 = arith.constant 0 : i32
    %dma_start3A_42 = arith.constant 0 : i32
    %dma_start3A_43 = tpu.memref_slice %arg19[%dma_start3A_41, %dma_start3A_42] : memref<10000x128xbf16, #tpu.memory_space<vmem_shared>> -> memref<10000x128xbf16, #tpu.memory_space<vmem_shared>>
    tpu.enqueue_indirect_dma source(%dma_start3A_43 : memref<10000x128xbf16, #tpu.memory_space<vmem_shared>>) target(%arg9 : memref<128x128xbf16, #tpu.memory_space<vmem>>) offsets(%dma_start3A_40 : memref<128xi32, #tpu.memory_space<vmem>>) semaphore(%arg12 : memref<!tpu.dma_semaphore, #tpu.memory_space<semaphore_mem>>)
    %dma_start3A_44 = arith.constant 2 : i32
    %dma_start3A_45 = arith.constant 0 : i32
    %dma_start3A_46 = tpu.memref_slice %arg6[%dma_start3A_44, %dma_start3A_45] : memref<81x128xi32, #tpu.memory_space<vmem>> -> memref<1x128xi32, #tpu.memory_space<vmem>>
    %dma_start3A_47 = tpu.memref_squeeze %dma_start3A_46 : memref<1x128xi32, #tpu.memory_space<vmem>> -> memref<128xi32, #tpu.memory_space<vmem>>
    %dma_start3A_48 = arith.constant 0 : i32
    %dma_start3A_49 = arith.constant 0 : i32
    %dma_start3A_50 = tpu.memref_slice %arg19[%dma_start3A_48, %dma_start3A_49] : memref<10000x128xbf16, #tpu.memory_space<vmem_shared>> -> memref<10000x128xbf16, #tpu.memory_space<vmem_shared>>
    tpu.enqueue_indirect_dma source(%dma_start3A_50 : memref<10000x128xbf16, #tpu.memory_space<vmem_shared>>) target(%arg10 : memref<128x128xbf16, #tpu.memory_space<vmem>>) offsets(%dma_start3A_47 : memref<128xi32, #tpu.memory_space<vmem>>) semaphore(%arg13 : memref<!tpu.dma_semaphore, #tpu.memory_space<semaphore_mem>>)
    %scan3A_51 = arith.constant 0 : i32
    %scan3A_52 = arith.constant 0 : i32
    %scan3A_53 = arith.constant 26 : i32
    %scan3A_54 = arith.addi %scan3A_52, %scan3A_53 : i32
    %scan3A_55 = arith.constant 1 : i32
    scf.for %scan3A_89 = %scan3A_52 to %scan3A_54 step %scan3A_55  : i32 {
      %mul3A_90 = arith.constant 3 : i32
      %mul3A_91 = arith.muli %scan3A_89, %mul3A_90 : i32
      %add3A_92 = arith.constant 0 : i32
      %add3A_93 = arith.addi %mul3A_91, %add3A_92 : i32
      %dma_wait3A_94 = arith.constant 0 : i32
      %dma_wait3A_95 = tpu.memref_slice %arg6[%add3A_93, %dma_wait3A_94] : memref<81x128xi32, #tpu.memory_space<vmem>> -> memref<1x128xi32, #tpu.memory_space<vmem>>
      %dma_wait3A_96 = tpu.memref_squeeze %dma_wait3A_95 : memref<1x128xi32, #tpu.memory_space<vmem>> -> memref<128xi32, #tpu.memory_space<vmem>>
      %dma_wait3A_97 = arith.constant 0 : i32
      %dma_wait3A_98 = arith.constant 0 : i32
      %dma_wait3A_99 = tpu.memref_slice %arg19[%dma_wait3A_97, %dma_wait3A_98] : memref<10000x128xbf16, #tpu.memory_space<vmem_shared>> -> memref<10000x128xbf16, #tpu.memory_space<vmem_shared>>
      tpu.wait_indirect_dma semaphore(%arg11 : memref<!tpu.dma_semaphore, #tpu.memory_space<semaphore_mem>>) src(%dma_wait3A_99 : memref<10000x128xbf16, #tpu.memory_space<vmem_shared>>) dst(%arg8 : memref<128x128xbf16, #tpu.memory_space<vmem>>)
      %dma_start3A_100 = arith.constant 0 : i32
      %dma_start3A_101 = tpu.memref_slice %arg7[%add3A_93, %dma_start3A_100] : memref<81x128xi32, #tpu.memory_space<vmem>> -> memref<1x128xi32, #tpu.memory_space<vmem>>
      %dma_start3A_102 = tpu.memref_squeeze %dma_start3A_101 : memref<1x128xi32, #tpu.memory_space<vmem>> -> memref<128xi32, #tpu.memory_space<vmem>>
      %dma_start3A_103 = arith.constant 0 : i32
      %dma_start3A_104 = arith.constant 0 : i32
      %dma_start3A_105 = tpu.memref_slice %arg18[%dma_start3A_103, %dma_start3A_104] : memref<10112x128xbf16, #tpu.memory_space<vmem_shared>> -> memref<10112x128xbf16, #tpu.memory_space<vmem_shared>>
      tpu.enqueue_indirect_dma source(%arg8 : memref<128x128xbf16, #tpu.memory_space<vmem>>) target(%dma_start3A_105 : memref<10112x128xbf16, #tpu.memory_space<vmem_shared>>) offsets(%dma_start3A_102 : memref<128xi32, #tpu.memory_space<vmem>>) semaphore(%arg14 : memref<!tpu.dma_semaphore, #tpu.memory_space<semaphore_mem>>) {add = true}
      %add3A_106 = arith.constant 1 : i32
      %add3A_107 = arith.addi %mul3A_91, %add3A_106 : i32
      %dma_wait3A_108 = arith.constant 0 : i32
      %dma_wait3A_109 = tpu.memref_slice %arg6[%add3A_107, %dma_wait3A_108] : memref<81x128xi32, #tpu.memory_space<vmem>> -> memref<1x128xi32, #tpu.memory_space<vmem>>
      %dma_wait3A_110 = tpu.memref_squeeze %dma_wait3A_109 : memref<1x128xi32, #tpu.memory_space<vmem>> -> memref<128xi32, #tpu.memory_space<vmem>>
      %dma_wait3A_111 = arith.constant 0 : i32
      %dma_wait3A_112 = arith.constant 0 : i32
      %dma_wait3A_113 = tpu.memref_slice %arg19[%dma_wait3A_111, %dma_wait3A_112] : memref<10000x128xbf16, #tpu.memory_space<vmem_shared>> -> memref<10000x128xbf16, #tpu.memory_space<vmem_shared>>
      tpu.wait_indirect_dma semaphore(%arg12 : memref<!tpu.dma_semaphore, #tpu.memory_space<semaphore_mem>>) src(%dma_wait3A_113 : memref<10000x128xbf16, #tpu.memory_space<vmem_shared>>) dst(%arg9 : memref<128x128xbf16, #tpu.memory_space<vmem>>)
      %dma_start3A_114 = arith.constant 0 : i32
      %dma_start3A_115 = tpu.memref_slice %arg7[%add3A_107, %dma_start3A_114] : memref<81x128xi32, #tpu.memory_space<vmem>> -> memref<1x128xi32, #tpu.memory_space<vmem>>
      %dma_start3A_116 = tpu.memref_squeeze %dma_start3A_115 : memref<1x128xi32, #tpu.memory_space<vmem>> -> memref<128xi32, #tpu.memory_space<vmem>>
      %dma_start3A_117 = arith.constant 0 : i32
      %dma_start3A_118 = arith.constant 0 : i32
      %dma_start3A_119 = tpu.memref_slice %arg18[%dma_start3A_117, %dma_start3A_118] : memref<10112x128xbf16, #tpu.memory_space<vmem_shared>> -> memref<10112x128xbf16, #tpu.memory_space<vmem_shared>>
      tpu.enqueue_indirect_dma source(%arg9 : memref<128x128xbf16, #tpu.memory_space<vmem>>) target(%dma_start3A_119 : memref<10112x128xbf16, #tpu.memory_space<vmem_shared>>) offsets(%dma_start3A_116 : memref<128xi32, #tpu.memory_space<vmem>>) semaphore(%arg15 : memref<!tpu.dma_semaphore, #tpu.memory_space<semaphore_mem>>) {add = true}
      %add3A_120 = arith.constant 2 : i32
      %add3A_121 = arith.addi %mul3A_91, %add3A_120 : i32
      %dma_wait3A_122 = arith.constant 0 : i32
      %dma_wait3A_123 = tpu.memref_slice %arg6[%add3A_121, %dma_wait3A_122] : memref<81x128xi32, #tpu.memory_space<vmem>> -> memref<1x128xi32, #tpu.memory_space<vmem>>
      %dma_wait3A_124 = tpu.memref_squeeze %dma_wait3A_123 : memref<1x128xi32, #tpu.memory_space<vmem>> -> memref<128xi32, #tpu.memory_space<vmem>>
      %dma_wait3A_125 = arith.constant 0 : i32
      %dma_wait3A_126 = arith.constant 0 : i32
      %dma_wait3A_127 = tpu.memref_slice %arg19[%dma_wait3A_125, %dma_wait3A_126] : memref<10000x128xbf16, #tpu.memory_space<vmem_shared>> -> memref<10000x128xbf16, #tpu.memory_space<vmem_shared>>
      tpu.wait_indirect_dma semaphore(%arg13 : memref<!tpu.dma_semaphore, #tpu.memory_space<semaphore_mem>>) src(%dma_wait3A_127 : memref<10000x128xbf16, #tpu.memory_space<vmem_shared>>) dst(%arg10 : memref<128x128xbf16, #tpu.memory_space<vmem>>)
      %dma_start3A_128 = arith.constant 0 : i32
      %dma_start3A_129 = tpu.memref_slice %arg7[%add3A_121, %dma_start3A_128] : memref<81x128xi32, #tpu.memory_space<vmem>> -> memref<1x128xi32, #tpu.memory_space<vmem>>
      %dma_start3A_130 = tpu.memref_squeeze %dma_start3A_129 : memref<1x128xi32, #tpu.memory_space<vmem>> -> memref<128xi32, #tpu.memory_space<vmem>>
      %dma_start3A_131 = arith.constant 0 : i32
      %dma_start3A_132 = arith.constant 0 : i32
      %dma_start3A_133 = tpu.memref_slice %arg18[%dma_start3A_131, %dma_start3A_132] : memref<10112x128xbf16, #tpu.memory_space<vmem_shared>> -> memref<10112x128xbf16, #tpu.memory_space<vmem_shared>>
      tpu.enqueue_indirect_dma source(%arg10 : memref<128x128xbf16, #tpu.memory_space<vmem>>) target(%dma_start3A_133 : memref<10112x128xbf16, #tpu.memory_space<vmem_shared>>) offsets(%dma_start3A_130 : memref<128xi32, #tpu.memory_space<vmem>>) semaphore(%arg16 : memref<!tpu.dma_semaphore, #tpu.memory_space<semaphore_mem>>) {add = true}
      %add3A_134 = arith.constant 0 : i32
      %add3A_135 = arith.addi %mul3A_91, %add3A_134 : i32
      %dma_wait3A_136 = arith.constant 0 : i32
      %dma_wait3A_137 = tpu.memref_slice %arg7[%add3A_135, %dma_wait3A_136] : memref<81x128xi32, #tpu.memory_space<vmem>> -> memref<1x128xi32, #tpu.memory_space<vmem>>
      %dma_wait3A_138 = tpu.memref_squeeze %dma_wait3A_137 : memref<1x128xi32, #tpu.memory_space<vmem>> -> memref<128xi32, #tpu.memory_space<vmem>>
      %dma_wait3A_139 = arith.constant 0 : i32
      %dma_wait3A_140 = arith.constant 0 : i32
      %dma_wait3A_141 = tpu.memref_slice %arg18[%dma_wait3A_139, %dma_wait3A_140] : memref<10112x128xbf16, #tpu.memory_space<vmem_shared>> -> memref<10112x128xbf16, #tpu.memory_space<vmem_shared>>
      tpu.wait_indirect_dma semaphore(%arg14 : memref<!tpu.dma_semaphore, #tpu.memory_space<semaphore_mem>>) src(%arg8 : memref<128x128xbf16, #tpu.memory_space<vmem>>) dst(%dma_wait3A_141 : memref<10112x128xbf16, #tpu.memory_space<vmem_shared>>)
      %add3A_142 = arith.constant 3 : i32
      %add3A_143 = arith.addi %add3A_135, %add3A_142 : i32
      %dma_start3A_144 = arith.constant 0 : i32
      %dma_start3A_145 = tpu.memref_slice %arg6[%add3A_143, %dma_start3A_144] : memref<81x128xi32, #tpu.memory_space<vmem>> -> memref<1x128xi32, #tpu.memory_space<vmem>>
      %dma_start3A_146 = tpu.memref_squeeze %dma_start3A_145 : memref<1x128xi32, #tpu.memory_space<vmem>> -> memref<128xi32, #tpu.memory_space<vmem>>
      %dma_start3A_147 = arith.constant 0 : i32
      %dma_start3A_148 = arith.constant 0 : i32
      %dma_start3A_149 = tpu.memref_slice %arg19[%dma_start3A_147, %dma_start3A_148] : memref<10000x128xbf16, #tpu.memory_space<vmem_shared>> -> memref<10000x128xbf16, #tpu.memory_space<vmem_shared>>
      tpu.enqueue_indirect_dma source(%dma_start3A_149 : memref<10000x128xbf16, #tpu.memory_space<vmem_shared>>) target(%arg8 : memref<128x128xbf16, #tpu.memory_space<vmem>>) offsets(%dma_start3A_146 : memref<128xi32, #tpu.memory_space<vmem>>) semaphore(%arg11 : memref<!tpu.dma_semaphore, #tpu.memory_space<semaphore_mem>>)
      %add3A_150 = arith.constant 1 : i32
      %add3A_151 = arith.addi %mul3A_91, %add3A_150 : i32
      %dma_wait3A_152 = arith.constant 0 : i32
      %dma_wait3A_153 = tpu.memref_slice %arg7[%add3A_151, %dma_wait3A_152] : memref<81x128xi32, #tpu.memory_space<vmem>> -> memref<1x128xi32, #tpu.memory_space<vmem>>
      %dma_wait3A_154 = tpu.memref_squeeze %dma_wait3A_153 : memref<1x128xi32, #tpu.memory_space<vmem>> -> memref<128xi32, #tpu.memory_space<vmem>>
      %dma_wait3A_155 = arith.constant 0 : i32
      %dma_wait3A_156 = arith.constant 0 : i32
      %dma_wait3A_157 = tpu.memref_slice %arg18[%dma_wait3A_155, %dma_wait3A_156] : memref<10112x128xbf16, #tpu.memory_space<vmem_shared>> -> memref<10112x128xbf16, #tpu.memory_space<vmem_shared>>
      tpu.wait_indirect_dma semaphore(%arg15 : memref<!tpu.dma_semaphore, #tpu.memory_space<semaphore_mem>>) src(%arg9 : memref<128x128xbf16, #tpu.memory_space<vmem>>) dst(%dma_wait3A_157 : memref<10112x128xbf16, #tpu.memory_space<vmem_shared>>)
      %add3A_158 = arith.constant 3 : i32
      %add3A_159 = arith.addi %add3A_151, %add3A_158 : i32
      %dma_start3A_160 = arith.constant 0 : i32
      %dma_start3A_161 = tpu.memref_slice %arg6[%add3A_159, %dma_start3A_160] : memref<81x128xi32, #tpu.memory_space<vmem>> -> memref<1x128xi32, #tpu.memory_space<vmem>>
      %dma_start3A_162 = tpu.memref_squeeze %dma_start3A_161 : memref<1x128xi32, #tpu.memory_space<vmem>> -> memref<128xi32, #tpu.memory_space<vmem>>
      %dma_start3A_163 = arith.constant 0 : i32
      %dma_start3A_164 = arith.constant 0 : i32
      %dma_start3A_165 = tpu.memref_slice %arg19[%dma_start3A_163, %dma_start3A_164] : memref<10000x128xbf16, #tpu.memory_space<vmem_shared>> -> memref<10000x128xbf16, #tpu.memory_space<vmem_shared>>
      tpu.enqueue_indirect_dma source(%dma_start3A_165 : memref<10000x128xbf16, #tpu.memory_space<vmem_shared>>) target(%arg9 : memref<128x128xbf16, #tpu.memory_space<vmem>>) offsets(%dma_start3A_162 : memref<128xi32, #tpu.memory_space<vmem>>) semaphore(%arg12 : memref<!tpu.dma_semaphore, #tpu.memory_space<semaphore_mem>>)
      %add3A_166 = arith.constant 2 : i32
      %add3A_167 = arith.addi %mul3A_91, %add3A_166 : i32
      %dma_wait3A_168 = arith.constant 0 : i32
      %dma_wait3A_169 = tpu.memref_slice %arg7[%add3A_167, %dma_wait3A_168] : memref<81x128xi32, #tpu.memory_space<vmem>> -> memref<1x128xi32, #tpu.memory_space<vmem>>
      %dma_wait3A_170 = tpu.memref_squeeze %dma_wait3A_169 : memref<1x128xi32, #tpu.memory_space<vmem>> -> memref<128xi32, #tpu.memory_space<vmem>>
      %dma_wait3A_171 = arith.constant 0 : i32
      %dma_wait3A_172 = arith.constant 0 : i32
      %dma_wait3A_173 = tpu.memref_slice %arg18[%dma_wait3A_171, %dma_wait3A_172] : memref<10112x128xbf16, #tpu.memory_space<vmem_shared>> -> memref<10112x128xbf16, #tpu.memory_space<vmem_shared>>
      tpu.wait_indirect_dma semaphore(%arg16 : memref<!tpu.dma_semaphore, #tpu.memory_space<semaphore_mem>>) src(%arg10 : memref<128x128xbf16, #tpu.memory_space<vmem>>) dst(%dma_wait3A_173 : memref<10112x128xbf16, #tpu.memory_space<vmem_shared>>)
      %add3A_174 = arith.constant 3 : i32
      %add3A_175 = arith.addi %add3A_167, %add3A_174 : i32
      %dma_start3A_176 = arith.constant 0 : i32
      %dma_start3A_177 = tpu.memref_slice %arg6[%add3A_175, %dma_start3A_176] : memref<81x128xi32, #tpu.memory_space<vmem>> -> memref<1x128xi32, #tpu.memory_space<vmem>>
      %dma_start3A_178 = tpu.memref_squeeze %dma_start3A_177 : memref<1x128xi32, #tpu.memory_space<vmem>> -> memref<128xi32, #tpu.memory_space<vmem>>
      %dma_start3A_179 = arith.constant 0 : i32
      %dma_start3A_180 = arith.constant 0 : i32
      %dma_start3A_181 = tpu.memref_slice %arg19[%dma_start3A_179, %dma_start3A_180] : memref<10000x128xbf16, #tpu.memory_space<vmem_shared>> -> memref<10000x128xbf16, #tpu.memory_space<vmem_shared>>
      tpu.enqueue_indirect_dma source(%dma_start3A_181 : memref<10000x128xbf16, #tpu.memory_space<vmem_shared>>) target(%arg10 : memref<128x128xbf16, #tpu.memory_space<vmem>>) offsets(%dma_start3A_178 : memref<128xi32, #tpu.memory_space<vmem>>) semaphore(%arg13 : memref<!tpu.dma_semaphore, #tpu.memory_space<semaphore_mem>>)
    }
    %scan3A_56 = arith.constant 26 : i32
    %dma_wait3A_57 = arith.constant 78 : i32
    %dma_wait3A_58 = arith.constant 0 : i32
    %dma_wait3A_59 = tpu.memref_slice %arg6[%dma_wait3A_57, %dma_wait3A_58] : memref<81x128xi32, #tpu.memory_space<vmem>> -> memref<1x128xi32, #tpu.memory_space<vmem>>
    %dma_wait3A_60 = tpu.memref_squeeze %dma_wait3A_59 : memref<1x128xi32, #tpu.memory_space<vmem>> -> memref<128xi32, #tpu.memory_space<vmem>>
    %dma_wait3A_61 = arith.constant 0 : i32
    %dma_wait3A_62 = arith.constant 0 : i32
    %dma_wait3A_63 = tpu.memref_slice %arg19[%dma_wait3A_61, %dma_wait3A_62] : memref<10000x128xbf16, #tpu.memory_space<vmem_shared>> -> memref<10000x128xbf16, #tpu.memory_space<vmem_shared>>
    tpu.wait_indirect_dma semaphore(%arg11 : memref<!tpu.dma_semaphore, #tpu.memory_space<semaphore_mem>>) src(%dma_wait3A_63 : memref<10000x128xbf16, #tpu.memory_space<vmem_shared>>) dst(%arg8 : memref<128x128xbf16, #tpu.memory_space<vmem>>)
    %run_scoped3A_64 = arith.constant 78 : i32
    "tpu.region"() ({
      %run_scoped3A_89 = tpu.sem_alloc : memref<!tpu.dma_semaphore, #tpu.memory_space<semaphore_mem>>
      %dma_start3A_90 = arith.constant 0 : i32
      %dma_start3A_91 = tpu.memref_slice %arg7[%run_scoped3A_64, %dma_start3A_90] : memref<81x128xi32, #tpu.memory_space<vmem>> -> memref<1x128xi32, #tpu.memory_space<vmem>>
      %dma_start3A_92 = tpu.memref_squeeze %dma_start3A_91 : memref<1x128xi32, #tpu.memory_space<vmem>> -> memref<128xi32, #tpu.memory_space<vmem>>
      %dma_start3A_93 = arith.constant 0 : i32
      %dma_start3A_94 = arith.constant 0 : i32
      %dma_start3A_95 = tpu.memref_slice %arg18[%dma_start3A_93, %dma_start3A_94] : memref<10112x128xbf16, #tpu.memory_space<vmem_shared>> -> memref<10112x128xbf16, #tpu.memory_space<vmem_shared>>
      tpu.enqueue_indirect_dma source(%arg8 : memref<128x128xbf16, #tpu.memory_space<vmem>>) target(%dma_start3A_95 : memref<10112x128xbf16, #tpu.memory_space<vmem_shared>>) offsets(%dma_start3A_92 : memref<128xi32, #tpu.memory_space<vmem>>) semaphore(%run_scoped3A_89 : memref<!tpu.dma_semaphore, #tpu.memory_space<semaphore_mem>>) {add = true}
      %dma_wait3A_96 = arith.constant 0 : i32
      %dma_wait3A_97 = tpu.memref_slice %arg7[%run_scoped3A_64, %dma_wait3A_96] : memref<81x128xi32, #tpu.memory_space<vmem>> -> memref<1x128xi32, #tpu.memory_space<vmem>>
      %dma_wait3A_98 = tpu.memref_squeeze %dma_wait3A_97 : memref<1x128xi32, #tpu.memory_space<vmem>> -> memref<128xi32, #tpu.memory_space<vmem>>
      %dma_wait3A_99 = arith.constant 0 : i32
      %dma_wait3A_100 = arith.constant 0 : i32
      %dma_wait3A_101 = tpu.memref_slice %arg18[%dma_wait3A_99, %dma_wait3A_100] : memref<10112x128xbf16, #tpu.memory_space<vmem_shared>> -> memref<10112x128xbf16, #tpu.memory_space<vmem_shared>>
      tpu.wait_indirect_dma semaphore(%run_scoped3A_89 : memref<!tpu.dma_semaphore, #tpu.memory_space<semaphore_mem>>) src(%arg8 : memref<128x128xbf16, #tpu.memory_space<vmem>>) dst(%dma_wait3A_101 : memref<10112x128xbf16, #tpu.memory_space<vmem_shared>>)
      tpu.yield
    }) : () -> ()
    %dma_wait3A_65 = arith.constant 79 : i32
    %dma_wait3A_66 = arith.constant 0 : i32
    %dma_wait3A_67 = tpu.memref_slice %arg6[%dma_wait3A_65, %dma_wait3A_66] : memref<81x128xi32, #tpu.memory_space<vmem>> -> memref<1x128xi32, #tpu.memory_space<vmem>>
    %dma_wait3A_68 = tpu.memref_squeeze %dma_wait3A_67 : memref<1x128xi32, #tpu.memory_space<vmem>> -> memref<128xi32, #tpu.memory_space<vmem>>
    %dma_wait3A_69 = arith.constant 0 : i32
    %dma_wait3A_70 = arith.constant 0 : i32
    %dma_wait3A_71 = tpu.memref_slice %arg19[%dma_wait3A_69, %dma_wait3A_70] : memref<10000x128xbf16, #tpu.memory_space<vmem_shared>> -> memref<10000x128xbf16, #tpu.memory_space<vmem_shared>>
    tpu.wait_indirect_dma semaphore(%arg12 : memref<!tpu.dma_semaphore, #tpu.memory_space<semaphore_mem>>) src(%dma_wait3A_71 : memref<10000x128xbf16, #tpu.memory_space<vmem_shared>>) dst(%arg9 : memref<128x128xbf16, #tpu.memory_space<vmem>>)
    %run_scoped3A_72 = arith.constant 79 : i32
    "tpu.region"() ({
      %run_scoped3A_89 = tpu.sem_alloc : memref<!tpu.dma_semaphore, #tpu.memory_space<semaphore_mem>>
      %dma_start3A_90 = arith.constant 0 : i32
      %dma_start3A_91 = tpu.memref_slice %arg7[%run_scoped3A_72, %dma_start3A_90] : memref<81x128xi32, #tpu.memory_space<vmem>> -> memref<1x128xi32, #tpu.memory_space<vmem>>
      %dma_start3A_92 = tpu.memref_squeeze %dma_start3A_91 : memref<1x128xi32, #tpu.memory_space<vmem>> -> memref<128xi32, #tpu.memory_space<vmem>>
      %dma_start3A_93 = arith.constant 0 : i32
      %dma_start3A_94 = arith.constant 0 : i32
      %dma_start3A_95 = tpu.memref_slice %arg18[%dma_start3A_93, %dma_start3A_94] : memref<10112x128xbf16, #tpu.memory_space<vmem_shared>> -> memref<10112x128xbf16, #tpu.memory_space<vmem_shared>>
      tpu.enqueue_indirect_dma source(%arg9 : memref<128x128xbf16, #tpu.memory_space<vmem>>) target(%dma_start3A_95 : memref<10112x128xbf16, #tpu.memory_space<vmem_shared>>) offsets(%dma_start3A_92 : memref<128xi32, #tpu.memory_space<vmem>>) semaphore(%run_scoped3A_89 : memref<!tpu.dma_semaphore, #tpu.memory_space<semaphore_mem>>) {add = true}
      %dma_wait3A_96 = arith.constant 0 : i32
      %dma_wait3A_97 = tpu.memref_slice %arg7[%run_scoped3A_72, %dma_wait3A_96] : memref<81x128xi32, #tpu.memory_space<vmem>> -> memref<1x128xi32, #tpu.memory_space<vmem>>
      %dma_wait3A_98 = tpu.memref_squeeze %dma_wait3A_97 : memref<1x128xi32, #tpu.memory_space<vmem>> -> memref<128xi32, #tpu.memory_space<vmem>>
      %dma_wait3A_99 = arith.constant 0 : i32
      %dma_wait3A_100 = arith.constant 0 : i32
      %dma_wait3A_101 = tpu.memref_slice %arg18[%dma_wait3A_99, %dma_wait3A_100] : memref<10112x128xbf16, #tpu.memory_space<vmem_shared>> -> memref<10112x128xbf16, #tpu.memory_space<vmem_shared>>
      tpu.wait_indirect_dma semaphore(%run_scoped3A_89 : memref<!tpu.dma_semaphore, #tpu.memory_space<semaphore_mem>>) src(%arg9 : memref<128x128xbf16, #tpu.memory_space<vmem>>) dst(%dma_wait3A_101 : memref<10112x128xbf16, #tpu.memory_space<vmem_shared>>)
      tpu.yield
    }) : () -> ()
    %dma_wait3A_73 = arith.constant 80 : i32
    %dma_wait3A_74 = arith.constant 0 : i32
    %dma_wait3A_75 = tpu.memref_slice %arg6[%dma_wait3A_73, %dma_wait3A_74] : memref<81x128xi32, #tpu.memory_space<vmem>> -> memref<1x128xi32, #tpu.memory_space<vmem>>
    %dma_wait3A_76 = tpu.memref_squeeze %dma_wait3A_75 : memref<1x128xi32, #tpu.memory_space<vmem>> -> memref<128xi32, #tpu.memory_space<vmem>>
    %dma_wait3A_77 = arith.constant 0 : i32
    %dma_wait3A_78 = arith.constant 0 : i32
    %dma_wait3A_79 = tpu.memref_slice %arg19[%dma_wait3A_77, %dma_wait3A_78] : memref<10000x128xbf16, #tpu.memory_space<vmem_shared>> -> memref<10000x128xbf16, #tpu.memory_space<vmem_shared>>
    tpu.wait_indirect_dma semaphore(%arg13 : memref<!tpu.dma_semaphore, #tpu.memory_space<semaphore_mem>>) src(%dma_wait3A_79 : memref<10000x128xbf16, #tpu.memory_space<vmem_shared>>) dst(%arg10 : memref<128x128xbf16, #tpu.memory_space<vmem>>)
    %run_scoped3A_80 = arith.constant 80 : i32
    "tpu.region"() ({
      %run_scoped3A_89 = tpu.sem_alloc : memref<!tpu.dma_semaphore, #tpu.memory_space<semaphore_mem>>
      %dma_start3A_90 = arith.constant 0 : i32
      %dma_start3A_91 = tpu.memref_slice %arg7[%run_scoped3A_80, %dma_start3A_90] : memref<81x128xi32, #tpu.memory_space<vmem>> -> memref<1x128xi32, #tpu.memory_space<vmem>>
      %dma_start3A_92 = tpu.memref_squeeze %dma_start3A_91 : memref<1x128xi32, #tpu.memory_space<vmem>> -> memref<128xi32, #tpu.memory_space<vmem>>
      %dma_start3A_93 = arith.constant 0 : i32
      %dma_start3A_94 = arith.constant 0 : i32
      %dma_start3A_95 = tpu.memref_slice %arg18[%dma_start3A_93, %dma_start3A_94] : memref<10112x128xbf16, #tpu.memory_space<vmem_shared>> -> memref<10112x128xbf16, #tpu.memory_space<vmem_shared>>
      tpu.enqueue_indirect_dma source(%arg10 : memref<128x128xbf16, #tpu.memory_space<vmem>>) target(%dma_start3A_95 : memref<10112x128xbf16, #tpu.memory_space<vmem_shared>>) offsets(%dma_start3A_92 : memref<128xi32, #tpu.memory_space<vmem>>) semaphore(%run_scoped3A_89 : memref<!tpu.dma_semaphore, #tpu.memory_space<semaphore_mem>>) {add = true}
      %dma_wait3A_96 = arith.constant 0 : i32
      %dma_wait3A_97 = tpu.memref_slice %arg7[%run_scoped3A_80, %dma_wait3A_96] : memref<81x128xi32, #tpu.memory_space<vmem>> -> memref<1x128xi32, #tpu.memory_space<vmem>>
      %dma_wait3A_98 = tpu.memref_squeeze %dma_wait3A_97 : memref<1x128xi32, #tpu.memory_space<vmem>> -> memref<128xi32, #tpu.memory_space<vmem>>
      %dma_wait3A_99 = arith.constant 0 : i32
      %dma_wait3A_100 = arith.constant 0 : i32
      %dma_wait3A_101 = tpu.memref_slice %arg18[%dma_wait3A_99, %dma_wait3A_100] : memref<10112x128xbf16, #tpu.memory_space<vmem_shared>> -> memref<10112x128xbf16, #tpu.memory_space<vmem_shared>>
      tpu.wait_indirect_dma semaphore(%run_scoped3A_89 : memref<!tpu.dma_semaphore, #tpu.memory_space<semaphore_mem>>) src(%arg10 : memref<128x128xbf16, #tpu.memory_space<vmem>>) dst(%dma_wait3A_101 : memref<10112x128xbf16, #tpu.memory_space<vmem_shared>>)
      tpu.yield
    }) : () -> ()
    %barrier3A_81 = arith.constant 0 : index
    tpu.barrier barrier_id(%barrier3A_81)
    %mul3A_82 = arith.constant 624 : i32
    %mul3A_83 = arith.muli %arg1, %mul3A_82 : i32
    "tpu.region"() ({
      %run_scoped3A_89 = tpu.sem_alloc : memref<!tpu.dma_semaphore, #tpu.memory_space<semaphore_mem>>
      %dma_start3A_90 = arith.constant 0 : i32
      %dma_start3A_91 = tpu.memref_slice %arg5[%arg0, %mul3A_83, %dma_start3A_90] : memref<2x10000x128xbf16, #tpu.memory_space<hbm>> -> memref<1x624x128xbf16, #tpu.memory_space<hbm>>
      %dma_start3A_92 = tpu.memref_squeeze %dma_start3A_91 : memref<1x624x128xbf16, #tpu.memory_space<hbm>> -> memref<624x128xbf16, #tpu.memory_space<hbm>>
      %dma_start3A_93 = arith.constant 0 : i32
      %dma_start3A_94 = tpu.memref_slice %arg18[%mul3A_83, %dma_start3A_93] : memref<10112x128xbf16, #tpu.memory_space<vmem_shared>> -> memref<624x128xbf16, #tpu.memory_space<vmem_shared>>
      tpu.enqueue_dma source(%dma_start3A_94 : memref<624x128xbf16, #tpu.memory_space<vmem_shared>>) target(%dma_start3A_92 : memref<624x128xbf16, #tpu.memory_space<hbm>>) target_semaphore(%run_scoped3A_89 : memref<!tpu.dma_semaphore, #tpu.memory_space<semaphore_mem>>)
      %dma_wait3A_95 = arith.constant 0 : i32
      %dma_wait3A_96 = tpu.memref_slice %arg5[%arg0, %mul3A_83, %dma_wait3A_95] : memref<2x10000x128xbf16, #tpu.memory_space<hbm>> -> memref<1x624x128xbf16, #tpu.memory_space<hbm>>
      %dma_wait3A_97 = tpu.memref_squeeze %dma_wait3A_96 : memref<1x624x128xbf16, #tpu.memory_space<hbm>> -> memref<624x128xbf16, #tpu.memory_space<hbm>>
      %dma_wait3A_98 = arith.constant 0 : i32
      %dma_wait3A_99 = tpu.memref_slice %arg18[%mul3A_83, %dma_wait3A_98] : memref<10112x128xbf16, #tpu.memory_space<vmem_shared>> -> memref<624x128xbf16, #tpu.memory_space<vmem_shared>>
      tpu.wait_dma2 semaphore(%run_scoped3A_89 : memref<!tpu.dma_semaphore, #tpu.memory_space<semaphore_mem>>) src(%dma_wait3A_99 : memref<624x128xbf16, #tpu.memory_space<vmem_shared>>) dst(%dma_wait3A_97 : memref<624x128xbf16, #tpu.memory_space<hbm>>)
      tpu.yield
    }) : () -> ()
    %eq3A_84 = arith.constant 15 : i32
    %eq3A_85 = arith.cmpi eq, %arg1, %eq3A_84 : i32
    %convert_element_type3A_86 = arith.extui %eq3A_85 : i1 to i32
    %cond3A_87 = arith.constant 0 : i32
    %cond3A_88 = arith.cmpi ne, %convert_element_type3A_86, %cond3A_87 : i32
    scf.if %cond3A_88 {
      "tpu.region"() ({
        %run_scoped3A_89 = tpu.sem_alloc : memref<!tpu.dma_semaphore, #tpu.memory_space<semaphore_mem>>
        %dma_start3A_90 = arith.constant 9984 : i32
        %dma_start3A_91 = arith.constant 0 : i32
        %dma_start3A_92 = tpu.memref_slice %arg5[%arg0, %dma_start3A_90, %dma_start3A_91] : memref<2x10000x128xbf16, #tpu.memory_space<hbm>> -> memref<1x16x128xbf16, #tpu.memory_space<hbm>>
        %dma_start3A_93 = tpu.memref_squeeze %dma_start3A_92 : memref<1x16x128xbf16, #tpu.memory_space<hbm>> -> memref<16x128xbf16, #tpu.memory_space<hbm>>
        %dma_start3A_94 = arith.constant 9984 : i32
        %dma_start3A_95 = arith.constant 0 : i32
        %dma_start3A_96 = tpu.memref_slice %arg18[%dma_start3A_94, %dma_start3A_95] : memref<10112x128xbf16, #tpu.memory_space<vmem_shared>> -> memref<16x128xbf16, #tpu.memory_space<vmem_shared>>
        tpu.enqueue_dma source(%dma_start3A_96 : memref<16x128xbf16, #tpu.memory_space<vmem_shared>>) target(%dma_start3A_93 : memref<16x128xbf16, #tpu.memory_space<hbm>>) target_semaphore(%run_scoped3A_89 : memref<!tpu.dma_semaphore, #tpu.memory_space<semaphore_mem>>)
        %dma_wait3A_97 = arith.constant 9984 : i32
        %dma_wait3A_98 = arith.constant 0 : i32
        %dma_wait3A_99 = tpu.memref_slice %arg5[%arg0, %dma_wait3A_97, %dma_wait3A_98] : memref<2x10000x128xbf16, #tpu.memory_space<hbm>> -> memref<1x16x128xbf16, #tpu.memory_space<hbm>>
        %dma_wait3A_100 = tpu.memref_squeeze %dma_wait3A_99 : memref<1x16x128xbf16, #tpu.memory_space<hbm>> -> memref<16x128xbf16, #tpu.memory_space<hbm>>
        %dma_wait3A_101 = arith.constant 9984 : i32
        %dma_wait3A_102 = arith.constant 0 : i32
        %dma_wait3A_103 = tpu.memref_slice %arg18[%dma_wait3A_101, %dma_wait3A_102] : memref<10112x128xbf16, #tpu.memory_space<vmem_shared>> -> memref<16x128xbf16, #tpu.memory_space<vmem_shared>>
        tpu.wait_dma2 semaphore(%run_scoped3A_89 : memref<!tpu.dma_semaphore, #tpu.memory_space<semaphore_mem>>) src(%dma_wait3A_103 : memref<16x128xbf16, #tpu.memory_space<vmem_shared>>) dst(%dma_wait3A_100 : memref<16x128xbf16, #tpu.memory_space<hbm>>)
        tpu.yield
      }) : () -> ()
    } else {
    }
    return
  }
}

module attributes {stable_mosaic.version = 14 : i64} {
  func.func @_tca_body(%arg0: i32, %arg1: memref<32x2048xf32, #tpu.memory_space<vmem>>, %arg2: memref<2048x128xf32, #tpu.memory_space<vmem>>, %arg3: memref<128x128xf32, #tpu.memory_space<vmem>>, %arg4: memref<2048x128xf32, #tpu.memory_space<vmem>>, %arg5: memref<2048x128xbf16, #tpu.memory_space<vmem>>) attributes {dimension_semantics = [#tpu.dimension_semantics<arbitrary>], iteration_bounds = array<i64: 5>, scalar_prefetch = 0 : i64, scratch_operands = 0 : i64, tpu.core_type = #tpu.core_type<tc>, window_params = [{transform_indices = @transform_0, window_bounds = array<i64: 32, 2048>}, {transform_indices = @transform_1, window_bounds = array<i64: 2048, 128>}, {pipeline_mode = #tpu.pipeline_mode<synchronous>, transform_indices = @transform_2, window_bounds = array<i64: 128, 128>}, {transform_indices = @transform_3, window_bounds = array<i64: 2048, 128>}, {transform_indices = @transform_4, window_bounds = array<i64: 2048, 128>}]} {
    %get3A = arith.constant 0 : index
    %get3A_0 = arith.constant 0 : index
    %get3A_1 = vector.load %arg1[%get3A, %get3A_0] : memref<32x2048xf32, #tpu.memory_space<vmem>>, vector<32x2048xf32>
    %reduce_sum3A = arith.constant dense<0.000000e+00> : vector<2048xf32>
    %reduce_sum3A_2 = vector.multi_reduction <add>, %get3A_1, %reduce_sum3A [0] : vector<32x2048xf32> to vector<2048xf32>
    %add3A = arith.constant 1.000000e+00 : f32
    %add3A_3 = vector.broadcast %add3A : f32 to vector<2048xf32>
    %add3A_4 = arith.addf %reduce_sum3A_2, %add3A_3 : vector<2048xf32>
    %rsqrt3A = math.rsqrt %add3A_4 : vector<2048xf32>
    %get3A_5 = arith.constant 0 : index
    %get3A_6 = arith.constant 0 : index
    %get3A_7 = vector.load %arg2[%get3A_5, %get3A_6] : memref<2048x128xf32, #tpu.memory_space<vmem>>, vector<2048x128xf32>
    %get3A_8 = arith.constant 0 : index
    %get3A_9 = arith.constant 0 : index
    %get3A_10 = vector.load %arg3[%get3A_8, %get3A_9] : memref<128x128xf32, #tpu.memory_space<vmem>>, vector<128x128xf32>
    %dot_general3A = arith.constant dense<0.000000e+00> : vector<2048x128xf32>
    %dot_general3A_11 = tpu.matmul %get3A_7, %get3A_10, %dot_general3A {dimension_numbers = #tpu.dot_dimension_numbers<[1], [0], [0], [1], [0, 0, 1, 1], [], []>, transpose_lhs_hint = false} : vector<2048x128xf32>, vector<128x128xf32>, vector<2048x128xf32> -> vector<2048x128xf32>
    %broadcast_in_dim3A = vector.shape_cast %rsqrt3A : vector<2048xf32> to vector<2048x1xf32>
    %mul3A = vector.broadcast %broadcast_in_dim3A : vector<2048x1xf32> to vector<2048x128xf32>
    %mul3A_12 = arith.mulf %mul3A, %dot_general3A_11 : vector<2048x128xf32>
    %swap3A = arith.constant 0 : index
    %swap3A_13 = arith.constant 0 : index
    %swap3A_14 = vector.load %arg4[%swap3A, %swap3A_13] : memref<2048x128xf32, #tpu.memory_space<vmem>>, vector<2048x128xf32>
    tpu.vector_store %arg4[%swap3A, %swap3A_13], %mul3A_12 {strides = array<i32>} : memref<2048x128xf32, #tpu.memory_space<vmem>>, vector<2048x128xf32>,
    %convert_element_type3A = arith.truncf %mul3A_12 : vector<2048x128xf32> to vector<2048x128xbf16>
    %swap3A_15 = arith.constant 0 : index
    %swap3A_16 = arith.constant 0 : index
    %swap3A_17 = vector.load %arg5[%swap3A_15, %swap3A_16] : memref<2048x128xbf16, #tpu.memory_space<vmem>>, vector<2048x128xbf16>
    tpu.vector_store %arg5[%swap3A_15, %swap3A_16], %convert_element_type3A {strides = array<i32>} : memref<2048x128xbf16, #tpu.memory_space<vmem>>, vector<2048x128xbf16>,
    return
  }
  func.func @transform_0(%arg0: i32) -> (i32, i32) {
    %c0_i32 = arith.constant 0 : i32
    %c0_i32_0 = arith.constant 0 : i32
    return %c0_i32, %arg0 : i32, i32
  }
  func.func @transform_1(%arg0: i32) -> (i32, i32) {
    %c0_i32 = arith.constant 0 : i32
    %c0_i32_0 = arith.constant 0 : i32
    return %arg0, %c0_i32 : i32, i32
  }
  func.func @transform_2(%arg0: i32) -> (i32, i32) {
    %c0_i32 = arith.constant 0 : i32
    %c0_i32_0 = arith.constant 0 : i32
    %c0_i32_1 = arith.constant 0 : i32
    return %c0_i32, %c0_i32_0 : i32, i32
  }
  func.func @transform_3(%arg0: i32) -> (i32, i32) {
    %c0_i32 = arith.constant 0 : i32
    %c0_i32_0 = arith.constant 0 : i32
    return %arg0, %c0_i32 : i32, i32
  }
  func.func @transform_4(%arg0: i32) -> (i32, i32) {
    %c0_i32 = arith.constant 0 : i32
    %c0_i32_0 = arith.constant 0 : i32
    return %arg0, %c0_i32 : i32, i32
  }
}

module attributes {stable_mosaic.version = 14 : i64} {
  func.func @_tcc_body(%arg0: i32, %arg1: memref<2x2048x128xbf16, #tpu.memory_space<vmem>>, %arg2: memref<2048x128xf32, #tpu.memory_space<vmem>>, %arg3: memref<32x2048xf32, #tpu.memory_space<vmem>>, %arg4: memref<1x128xf32, #tpu.memory_space<vmem>>, %arg5: memref<2048x128xf32, #tpu.memory_space<vmem>>) attributes {dimension_semantics = [#tpu.dimension_semantics<arbitrary>], iteration_bounds = array<i64: 5>, scalar_prefetch = 0 : i64, scratch_operands = 0 : i64, tpu.core_type = #tpu.core_type<tc>, window_params = [{transform_indices = @transform_0, window_bounds = array<i64: 2, 2048, 128>}, {transform_indices = @transform_1, window_bounds = array<i64: 2048, 128>}, {transform_indices = @transform_2, window_bounds = array<i64: 32, 2048>}, {pipeline_mode = #tpu.pipeline_mode<synchronous>, transform_indices = @transform_3, window_bounds = array<i64: 1, 128>}, {transform_indices = @transform_4, window_bounds = array<i64: 2048, 128>}]} {
    %get3A = arith.constant 0 : index
    %get3A_0 = arith.constant 0 : index
    %get3A_1 = vector.load %arg3[%get3A, %get3A_0] : memref<32x2048xf32, #tpu.memory_space<vmem>>, vector<32x2048xf32>
    %reduce_sum3A = arith.constant dense<0.000000e+00> : vector<2048xf32>
    %reduce_sum3A_2 = vector.multi_reduction <add>, %get3A_1, %reduce_sum3A [0] : vector<32x2048xf32> to vector<2048xf32>
    %add3A = arith.constant 1.000000e+00 : f32
    %add3A_3 = vector.broadcast %add3A : f32 to vector<2048xf32>
    %add3A_4 = arith.addf %reduce_sum3A_2, %add3A_3 : vector<2048xf32>
    %rsqrt3A = math.rsqrt %add3A_4 : vector<2048xf32>
    %get3A_5 = arith.constant 0 : index
    %get3A_6 = arith.constant 0 : index
    %get3A_7 = arith.constant 0 : index
    %get3A_8 = vector.load %arg1[%get3A_5, %get3A_6, %get3A_7] : memref<2x2048x128xbf16, #tpu.memory_space<vmem>>, vector<1x2048x128xbf16>
    %get3A_9 = vector.shape_cast %get3A_8 : vector<1x2048x128xbf16> to vector<2048x128xbf16>
    %get3A_10 = arith.constant 1 : index
    %get3A_11 = arith.constant 0 : index
    %get3A_12 = arith.constant 0 : index
    %get3A_13 = vector.load %arg1[%get3A_10, %get3A_11, %get3A_12] : memref<2x2048x128xbf16, #tpu.memory_space<vmem>>, vector<1x2048x128xbf16>
    %get3A_14 = vector.shape_cast %get3A_13 : vector<1x2048x128xbf16> to vector<2048x128xbf16>
    %add3A_15 = arith.addf %get3A_9, %get3A_14 : vector<2048x128xbf16>
    %convert_element_type3A = arith.extf %add3A_15 : vector<2048x128xbf16> to vector<2048x128xf32>
    %get3A_16 = arith.constant 0 : index
    %get3A_17 = arith.constant 0 : index
    %get3A_18 = vector.load %arg2[%get3A_16, %get3A_17] : memref<2048x128xf32, #tpu.memory_space<vmem>>, vector<2048x128xf32>
    %add3A_19 = arith.addf %convert_element_type3A, %get3A_18 : vector<2048x128xf32>
    %broadcast_in_dim3A = vector.shape_cast %rsqrt3A : vector<2048xf32> to vector<2048x1xf32>
    %mul3A = vector.broadcast %broadcast_in_dim3A : vector<2048x1xf32> to vector<2048x128xf32>
    %mul3A_20 = arith.mulf %mul3A, %add3A_19 : vector<2048x128xf32>
    %get3A_21 = arith.constant 0 : index
    %get3A_22 = arith.constant 0 : index
    %get3A_23 = vector.load %arg4[%get3A_21, %get3A_22] : memref<1x128xf32, #tpu.memory_space<vmem>>, vector<1x128xf32>
    %add3A_24 = vector.broadcast %get3A_23 : vector<1x128xf32> to vector<2048x128xf32>
    %add3A_25 = arith.addf %mul3A_20, %add3A_24 : vector<2048x128xf32>
    %swap3A = arith.constant 0 : index
    %swap3A_26 = arith.constant 0 : index
    %swap3A_27 = vector.load %arg5[%swap3A, %swap3A_26] : memref<2048x128xf32, #tpu.memory_space<vmem>>, vector<2048x128xf32>
    tpu.vector_store %arg5[%swap3A, %swap3A_26], %add3A_25 {strides = array<i32>} : memref<2048x128xf32, #tpu.memory_space<vmem>>, vector<2048x128xf32>,
    return
  }
  func.func @transform_0(%arg0: i32) -> (i32, i32, i32) {
    %c0_i32 = arith.constant 0 : i32
    %c0_i32_0 = arith.constant 0 : i32
    %c0_i32_1 = arith.constant 0 : i32
    return %c0_i32, %arg0, %c0_i32_0 : i32, i32, i32
  }
  func.func @transform_1(%arg0: i32) -> (i32, i32) {
    %c0_i32 = arith.constant 0 : i32
    %c0_i32_0 = arith.constant 0 : i32
    return %arg0, %c0_i32 : i32, i32
  }
  func.func @transform_2(%arg0: i32) -> (i32, i32) {
    %c0_i32 = arith.constant 0 : i32
    %c0_i32_0 = arith.constant 0 : i32
    return %c0_i32, %arg0 : i32, i32
  }
  func.func @transform_3(%arg0: i32) -> (i32, i32) {
    %c0_i32 = arith.constant 0 : i32
    %c0_i32_0 = arith.constant 0 : i32
    %c0_i32_1 = arith.constant 0 : i32
    return %c0_i32, %c0_i32_0 : i32, i32
  }
  func.func @transform_4(%arg0: i32) -> (i32, i32) {
    %c0_i32 = arith.constant 0 : i32
    %c0_i32_0 = arith.constant 0 : i32
    return %arg0, %c0_i32 : i32, i32
  }
}

</mosaic_0001>

<sc_bundles>
// kernel: kernel.6.cloned.1.call-start
scs
__scs_entry_jumppad:
0x0: {  	(pc) =	sbr.rel $0x88, $3  }
0x1: {  	(tag) =	ssettag $0x0;
	lr =	simm.s32 $0x1  }
0x2: {  	[smem:$0x3F9D] =	sst lr;
	_ =	strace $0xD0000000  }
0x3: {  	_ = 	snop  }
0x4: {  	_ = 	snop  }
0x5: {  	_ = 	snop  }
0x6: {  	_ = 	snop  }
0x7: {  	_ = 	snop  }
__scs_overlays_trampoline_lowered:
0x8: {  	[smem:$0x3FAC] =	sst s0  }
0x9: {  	[smem:$0x3FAD] =	sst s1  }
0xa: {  	[smem:$0x3FAE] =	sst s2  }
0xb: {  	[smem:$0x3FAF] =	sst s3  }
0xc: {  	[smem:$0x3FB0] =	sst s4  }
0xd: {  	[smem:$0x3FB1] =	sst s5  }
0xe: {  	[smem:$0x3FB2] =	sst s6  }
0xf: {  	[smem:$0x3FB3] =	sst s7  }
0x10: {  	[smem:$0x3FB4] =	sst s8  }
0x11: {  	[smem:$0x3FB5] =	sst s9;
	s0 =	simm.s32 @!p0 $0x0  }
0x12: {  	s1 =	sld [smem:$0x3F9B];
	s0 =	simm.s32 @p0 $0x1  }
0x13: {  	[smem:$0x3FB6] =	sst s0;
	s0 =	simm.s32 @!p1 $0x0  }
0x14: {  	s2 =	sld [smem:$0x3F9A];
	s0 =	simm.s32 @p1 $0x1  }
0x15: {  	[smem:$0x3FB7] =	sst s0;
	s0 =	simm.s32 @!p2 $0x0  }
0x16: {  	s3 =	sld [smem:$0x3FDB];
	s0 =	simm.s32 @p2 $0x1  }
0x17: {  	s4 =	simm.s32 $0x1BF5;
	[smem:$0x3FB9] =	sst s0  }
0x18: {  	s0 =	sld [smem:$0x3F9C];
	_ =	swait.ge [sflag:s4], $0x0  }
0x19: {  	s7 =	sld [smem:$0x3F9D]  }
0x1a: {  	s8 =	sadd.s32 $0xFFFFE003, lr  }
0x1b: {  	s9 =	sadd.s32 $0xFFFFFEF7, lr;
	s5 =	simm.s32 $0xFFFFFFFF;
	p2 =	slt.u32 s8, $0xFFFFF086  }
0x1c: {  	p1 =	slt.u32 s9, $0xF7A;
	s5 =	simm.s32 @!p2 $0x0  }
0x1d: {  	s5 =	simm.s32 @p1 $0x1;
	p0 =	seq.s32 s7, s2  }
0x1e: {  	s7 =	smul.u32 @!p0 $0xF7A, s2;
	p2 =	seq.s32 @!p0 s5, $0x0  }
0x1f: {  	s9 =	smul.u32 $0xF7A, s1;
	s8 =	simm.s32 @!p0 $0x1BF5;
	p2 =	por !p2, p0  }
0x20: {  	[sflag:s8] =	ssyncset.s32 @!p0 $0xFFFFF086;
	s6 =	sadd.s32 @!p0 s3, s7;
	s7 =	simm.s32 @!p0 $0x108  }
0x21: {  	s3 =	sadd.s32 s3, s9;
	s6 =	sadd.s32 @!p0 $0x88, s6;
	s7 =	simm.s32 @p2 $0x1082  }
0x22: {  	[simem:s7], [sflag:s8] =	dma.local @!p0 [hbm:s6], $0xF7A  }
0x23: {  	s9 =	sor.u32 $0xD0000000, s2;
	s6 =	simm.s32 $0x108;
	_ =	swait.ge @!p0 [sflag:s8], $0x0  }
0x24: {  	s3 =	sadd.s32 $0x88, s3;
	s6 =	simm.s32 @!p1 $0x1082;
	[sflag:s4] =	ssyncset.s32 $0xFFFFF086  }
0x25: {  	[simem:s6], [sflag:s4] =	dma.local [hbm:s3], $0xF7A  }
0x26: {  	[smem:$0x3F9D] =	sst s1;
	(tag) =	ssettag s2;
	_ =	strace s9  }
0x27: {  	s1 =	sld [smem:$0x3FAD]  }
0x28: {  	s2 =	sld [smem:$0x3FAE]  }
0x29: {  	s4 =	sld [smem:$0x3FB0]  }
0x2a: {  	p0 =	seq.s32 s5, $0x0;
	s5 =	sld [smem:$0x3FB1]  }
0x2b: {  	s6 =	sld [smem:$0x3FB2]  }
0x2c: {  	s7 =	sld [smem:$0x3FB3]  }
0x2d: {  	s3 =	simm.s32 $0x108;
	s8 =	sld [smem:$0x3FB4]  }
0x2e: {  	s3 =	simm.s32 @!p0 $0x1082;
	s9 =	sld [smem:$0x3FB5]  }
0x2f: {  	lr =	sadd.s32 s0, s3;
	s0 =	sld [smem:$0x3FAC]  }
0x30: {  	s3 =	sld [smem:$0x3FAF]  }
0x31: {  	[smem:$0x3FB8] =	sst s10  }
0x32: {  	s10 =	sld [smem:$0x3FB6];
	_ =	sdelay $0x3  }
0x33: {  	p0 =	seq.s32 s10, $0x1;
	s10 =	sld [smem:$0x3FB8];
	_ =	sdelay $0x3  }
0x34: {  	[smem:$0x3FB8] =	sst s10  }
0x35: {  	s10 =	sld [smem:$0x3FB7];
	_ =	sdelay $0x3  }
0x36: {  	p1 =	seq.s32 s10, $0x1;
	s10 =	sld [smem:$0x3FB8];
	_ =	sdelay $0x3  }
0x37: {  	[smem:$0x3FB8] =	sst s10  }
0x38: {  	s10 =	sld [smem:$0x3FB9]  }
0x39: {  	_ = 	snop;
	(pc) =	sbr.ind lr, $3  }
0x3a: {  	_ = 	snop  }
0x3b: {  	_ = 	snop  }
0x3c: {  	p2 =	seq.s32 s10, $0x1;
	s10 =	sld [smem:$0x3FB8]  }
0x3d: {  	_ =	shalt  }
0x3e: {  	_ =	shalt  }
0x3f: {  	_ =	shalt  }
0x40: {  	_ =	shalt  }
0x41: {  	_ =	shalt  }
0x42: {  	_ =	shalt  }
0x43: {  	_ =	shalt  }
0x44: {  	_ =	shalt  }
0x45: {  	_ =	shalt  }
0x46: {  	_ =	shalt  }
0x47: {  	_ =	shalt  }
0x48: {  	_ =	shalt  }
0x49: {  	_ =	shalt  }
0x4a: {  	_ =	shalt  }
0x4b: {  	_ =	shalt  }
0x4c: {  	_ =	shalt  }
0x4d: {  	_ =	shalt  }
0x4e: {  	_ =	shalt  }
0x4f: {  	_ =	shalt  }
0x50: {  	_ =	shalt  }
0x51: {  	_ =	shalt  }
0x52: {  	_ =	shalt  }
0x53: {  	_ =	shalt  }
0x54: {  	_ =	shalt  }
0x55: {  	_ =	shalt  }
0x56: {  	_ =	shalt  }
0x57: {  	_ =	shalt  }
0x58: {  	_ =	shalt  }
0x59: {  	_ =	shalt  }
0x5a: {  	_ =	shalt  }
0x5b: {  	_ =	shalt  }
0x5c: {  	_ =	shalt  }
0x5d: {  	_ =	shalt  }
0x5e: {  	_ =	shalt  }
0x5f: {  	_ =	shalt  }
0x60: {  	_ =	shalt  }
0x61: {  	_ =	shalt  }
0x62: {  	_ =	shalt  }
0x63: {  	_ =	shalt  }
0x64: {  	_ =	shalt  }
0x65: {  	_ =	shalt  }
0x66: {  	_ =	shalt  }
0x67: {  	_ =	shalt  }
0x68: {  	_ =	shalt  }
0x69: {  	_ =	shalt  }
0x6a: {  	_ =	shalt  }
0x6b: {  	_ =	shalt  }
0x6c: {  	_ =	shalt  }
0x6d: {  	_ =	shalt  }
0x6e: {  	_ =	shalt  }
0x6f: {  	_ =	shalt  }
0x70: {  	_ =	shalt  }
0x71: {  	_ =	shalt  }
0x72: {  	_ =	shalt  }
0x73: {  	_ =	shalt  }
0x74: {  	_ =	shalt  }
0x75: {  	_ =	shalt  }
0x76: {  	_ =	shalt  }
0x77: {  	_ =	shalt  }
0x78: {  	_ =	shalt  }
0x79: {  	_ =	shalt  }
0x7a: {  	_ =	shalt  }
0x7b: {  	_ =	shalt  }
0x7c: {  	_ =	shalt  }
0x7d: {  	_ =	shalt  }
0x7e: {  	_ =	shalt  }
0x7f: {  	_ =	shalt  }
0x80: {  	_ =	shalt  }
0x81: {  	_ =	shalt  }
0x82: {  	_ =	shalt  }
0x83: {  	_ =	shalt  }
0x84: {  	_ =	shalt  }
0x85: {  	_ =	shalt  }
0x86: {  	_ =	shalt  }
0x87: {  	_ =	shalt  }
.Lfunc_end0:
.L_simem_size_0:
called_computation_lowered:
.L_overlay_start_0:
0x88: {  	s2 =	sld [smem:$0x3FD9]  }
0x89: {  	s3 =	sld [smem:$0x3FFE];
	_ =	sdelay $0x1  }
0x8a: {  	s1 =	srdreg.scid  }
0x8b: {  	s0 =	sand.u32 $0x1, s1  }
0x8c: {  	s17 =	sshll.u32 s0, $0xA;
	s2 =	sadd.s32 s3, s2  }
0x8d: {  	s2 =	sadd.s32 s2, s17  }
0x8e: {  	[smem:$0x3FC4] =	sst s2  }
0x8f: {  	_ = 	snop  }
0x90: {  	s2 =	sld [smem:$0x3FD0];
	(tm) =	ssettm $0x1  }
0x91: {  	s18 =	sld [smem:$0x3FFB];
	_ =	sdelay $0x3  }
0x92: {  	_ =	strace s18  }
0x93: {  	s3 =	sld [smem:$0x3FFC];
	_ =	sdelay $0x3  }
0x94: {  	_ =	strace s3  }
0x95: {  	s3 =	sld [smem:$0x3FFD];
	_ =	sdelay $0x3  }
0x96: {  	_ =	strace s3  }
0x97: {  	_ =	strace $0x8FFFFFFF  }
0x98: {  	s19 =	sld [smem:$0x3FDB];
	_ =	sdelay $0x1  }
0x99: {  	s4 =	simm.s32 $_scs_section_size  }
0x9a: {  	s5 =	simm.s32 $_size__tile_overlayer_lowered;
	s6 =	simm.s32 $_tile_overlayer_lowered  }
0x9b: {  	s22 =	simm.s32 $0x1BFF;
	s21 =	sshll.u32 s6, $0x1;
	s3 =	sadd.s32 s4, s19  }
0x9c: {  	s7 =	simm.s32 $0x0;
	s20 =	sshll.u32 s5, $0x1;
	s5 =	sadd.s32 s21, s3  }
0x9d: {  	[timem:s7], [sflag:s22] =	dma.local [hbm:s5], s20  }
0x9e: {  	_ =	swait.ge [sflag:s22], s20  }
0x9f: {  	s4 =	ssub.s32 $0x0, s20;
	[sflag:s22] =	ssyncset.done $0x0  }
0xa0: {  	[sflag:s22] =	ssyncadd.s32 s4;
	_ =	sdelay $0x1  }
0xa1: {  	s23 =	simm.s32 $0x1B8B  }
0xa2: {  	_ =	swait.ge [sflag:s23], $0x1  }
0xa3: {  	[sflag:s23] =	ssyncset.done $0x0  }
0xa4: {  	s25 =	simm.s32 $0x1B8E;
	s24 =	sld [smem:$0x3FFE];
	[sflag:s23] =	ssyncadd.s32 $0xFFFFFFFF  }
0xa5: {  	s26 =	simm.s32 $execute0_lowered;
	[smem:$0x3FD2] =	sst s25  }
0xa6: {  	s5 =	sshll.u32 s26, $0x1;
	_ =	strace $0x80000046;
	[dreg:$0x1] =	wrdreg $0xFFFFFFFF  }
0xa7: {  	s28 =	simm.s32 $_size_execute0_lowered;
	s3 =	sadd.s32 s3, s5;
	[dreg:$0x0] =	wrdreg $0x0  }
0xa8: {  	s5 =	sshll.u32 s28, $0x1;
	[dreg:$0x2] =	wrdreg s3  }
0xa9: {  	[dreg:$0x3] =	wrdreg s5  }
0xaa: {  	[dreg:$0x4] =	wrdreg $0xC0  }
0xab: {  	_ =	task [dreg:s7], $0x5FFFF  }
0xac: {  	[dreg:$0x1] =	wrdreg $0xFFFFFFFF  }
0xad: {  	[dreg:$0x0] =	wrdreg $0x60  }
0xae: {  	[dreg:$0x2] =	wrdreg s24  }
0xaf: {  	[dreg:$0x3] =	wrdreg s2  }
0xb0: {  	[dreg:$0x4] =	wrdreg $0x9  }
0xb1: {  	_ =	task.clear_ibuf [dreg:s7], $0x5FFFF;
	_ =	strace $0x90000046  }
0xb2: {  	s29 =	simm.s32 $0x9;
	_ =	strace $0x80000048  }
0xb3: {  	_ =	swait.ge [sflag:s29], $0x1  }
0xb4: {  	[sflag:s29] =	ssyncadd.s32 $0xFFFFFFFF  }
0xb5: {  	_ =	strace $0x90000048  }
0xb6: {  	_ =	sfence  }
0xb7: {  	s30 =	sld [smem:$0x0];
	_ =	sdelay $0x2  }
0xb8: {  	s31 =	sshll.u32 s1, $0xD;
	s1 =	sshrl.u32 s1, $0x2  }
0xb9: {  	s3 =	sand.u32 $0x4000, s31;
	s1 =	sadd.s32 s1, s30  }
0xba: {  	s0 =	sor.u32 s3, s0;
	s1 =	sshll.u32 s1, $0x11  }
0xbb: {  	s0 =	sor.u32 s1, s0  }
0xbc: {  	s0 =	sadd.s32 $0x8F2B, s0  }
0xbd: {  	[sflag:s0] =	ssyncadd.remote.s32 $0x1  }
0xbe: {  	_ =	sfence.sel $0xFFFF  }
0xbf: {  	[dreg:$0x0] =	wrdreg $0xFFFFFFFF;
	(pc) =	sbr.abs _section_cstart, $3  }
0xc0: {  	[dreg:$0x1] =	wrdreg $0xFFFFFFFF  }
0xc1: {  	_ =	task.clear_ibuf [dreg:s7], $0x2FFFF;
	_ =	strace $0x9FFFFFFF  }
0xc2: {  	(tm) =	ssettm $0x7FFFFFFF  }
0xc3: {  	_ =	shalt  }
tec
execute0_lowered:
.L_overlay_start_1:
0x0: {  	(tag) =	ssettag $0x1  }
0x1: {  	s1 =	srdreg.scid;
	s4 =	rddreg [dreg:$0x0]  }
0x2: {  	s0 =	stileid.u32;
	s6 =	rddreg [dreg:$0x1]  }
0x3: {  	s2 =	simm.s32 $0x0;
	s3 =	sand.u32 $0x1, s1;
	s30 =	sshll.u32 s0, $0x1  }
0x4: {  	s9 =	simm.s32 $0x2880;
	s10 =	simm.s32 $0x7980;
	s5 =	sor.u32 s3, s30  }
0x5: {  	s11 =	simm.s32 $0x5100;
	s1 =	rddreg [dreg:$0x2];
	s7 =	smul.u32 $0x2880, s5  }
0x6: {  	s12 =	simm.s32 $0x0;
	[smem:$0x7FF] =	sst s2;
	s3 =	ssub.s32 $0x2, s3  }
0x7: {  	s31 =	sshrl.u32 s3, $0x1;
	s5 =	smul.u32 $0x500, s5;
	s7 =	sshrl.u32 s7, $0x3  }
0x8: {  	v5 =	vlaneseq.u32;
	_ =	strace $0x80000047;
	s8 =	ssub.s32 s3, s31;
	s7 =	sadd.s32 s7, s4  }
0x9: {  	v0 =	vimm.f32 $0.0e+00;
	v1 =	vimm.f32 $1.000000000e+00;
	v2 =	vor.u32 $0x2710, v5;
	s5 =	sadd.s32 s6, s5;
	s3 =	sadd.s32 $0x1A00, s7;
	s4 =	sadd.s32 $0xBC00, s7  }
0xa: {  	v3 =	vor.u32 $0x2720, v5;
	v4 =	vor.u32 $0x2730, v5;
	v5 =	vor.u32 $0x2740, v5;
	s6 =	sadd.s32 $0x15E00, s7;
	s7 =	smax.u32 s8, $0x1;
	s8 =	simm.s32 $0x1  }
.LBB2_1:
0xb: {  	[tilespmem:s2], [sflag:$0x1] =	stream.linear.gather [hbm4b:s3+s2], $0x2880, $0x38;
	[tilespmem:$0xA180] =	vst v63  }
0xc: {  	_ =	swait.ge [sflag:s8], $0x2880  }
0xd: {  	[sflag:s8] =	ssyncset.done $0x0  }
0xe: {  	[sflag:s8] =	ssyncadd.s32 $0xFFFFD780  }
0xf: {  	[tilespmem:s9], [sflag:$0x1] =	stream.linear.gather [hbm4b:s4+s2], $0x2880, $0x38;
	[tilespmem:$0xA180] =	vst v63  }
0x10: {  	_ =	swait.ge [sflag:s8], $0x2880  }
0x11: {  	[sflag:s8] =	ssyncset.done $0x0  }
0x12: {  	s13 =	simm.s32 $0x0;
	s14 =	simm.s32 $0x200;
	[sflag:s8] =	ssyncadd.s32 $0xFFFFD780  }
.LBB2_2:
0x13: {  	p0 =	sne.s32 s14, $0x9E00;
	[tilespmem:s13+$0x79F0] =	vst v0  }
0x14: {  	[tilespmem:s13+$0x7980] =	vst v0  }
0x15: {  	[tilespmem:s13+$0x7990] =	vst v0  }
.Ltmp0:
0x16: {  	[tilespmem:s13+$0x79A0] =	vst v0;
	(pc) =	sbr.rel @p0 .LBB2_2-.Ltmp0, $4  }
0x17: {  	[tilespmem:s13+$0x79B0] =	vst v0  }
0x18: {  	[tilespmem:s13+$0x79C0] =	vst v0  }
0x19: {  	[tilespmem:s13+$0x79D0] =	vst v0  }
0x1a: {  	[tilespmem:s13+$0x79E0] =	vst v0;
	s13 =	sshra.s32 s14, $0x2;
	s14 =	sadd.s32 $0x200, s14  }
0x1b: {  	[tilespmem:s13+$0x79F0] =	vst v0  }
0x1c: {  	[tilespmem:s13+$0x7980] =	vst v0  }
0x1d: {  	[tilespmem:s13+$0x7990] =	vst v0  }
0x1e: {  	[tilespmem:s13+$0x79A0] =	vst v0  }
0x1f: {  	[tilespmem:s13+$0x79B0] =	vst v0  }
0x20: {  	[tilespmem:s13+$0x79C0] =	vst v0  }
0x21: {  	[tilespmem:s13+$0x79D0] =	vst v0  }
0x22: {  	[tilespmem:s13+$0x79E0] =	vst v0;
	s13 =	simm.s32 $0x0  }
.LBB2_4:
0x23: {  	s14 =	sshra.s32 s13, $0x2  }
0x24: {  	v6 =	vld [tilespmem:s14+$0x0]  }
0x25: {  	v7 =	vld [tilespmem:s14+$0x2880];
	_ =	sdelay $0x4  }
0x26: {  	vm0 =	veq.s32 v6, v7  }
0x27: {  	v6 =	vsel vm0, v2, v7;
	_ =	sdelay $0x3  }
0x28: {  	v7 =	vsel vm0, $0x0, v1  }
0x29: {  	[tilespmem:v6+s10+$0x0] =	vst.idx.add.f32.msk $0xffff, v7  }
0x2a: {  	v7 =	vld [tilespmem:s14+$0x10]  }
0x2b: {  	v8 =	vld [tilespmem:s14+$0x2890];
	_ =	sdelay $0x4  }
0x2c: {  	vm9 =	veq.s32 v7, v8  }
0x2d: {  	v7 =	vsel vm9, v3, v8;
	_ =	sdelay $0x3  }
0x2e: {  	[tilespmem:s14+$0x5100] =	vst v6;
	v6 =	vsel vm9, $0x0, v1  }
0x2f: {  	[tilespmem:v7+s10+$0x0] =	vst.idx.add.f32.msk $0xffff, v6  }
0x30: {  	v6 =	vld [tilespmem:s14+$0x20]  }
0x31: {  	v58 =	vld [tilespmem:s14+$0x28A0];
	_ =	sdelay $0x4  }
0x32: {  	vm10 =	veq.s32 v6, v58  }
0x33: {  	v6 =	vsel vm10, v4, v58;
	_ =	sdelay $0x3  }
0x34: {  	[tilespmem:s14+$0x5110] =	vst v7;
	v7 =	vsel vm10, $0x0, v1  }
0x35: {  	[tilespmem:v6+s10+$0x0] =	vst.idx.add.f32.msk $0xffff, v7  }
0x36: {  	v7 =	vld [tilespmem:s14+$0x30]  }
0x37: {  	v59 =	vld [tilespmem:s14+$0x28B0];
	_ =	sdelay $0x4  }
0x38: {  	vm11 =	veq.s32 v7, v59  }
0x39: {  	v7 =	vsel vm11, v5, v59;
	_ =	sdelay $0x3  }
0x3a: {  	[tilespmem:s14+$0x5120] =	vst v6;
	v6 =	vsel vm11, $0x0, v1  }
0x3b: {  	[tilespmem:v7+s10+$0x0] =	vst.idx.add.f32.msk $0xffff, v6  }
0x3c: {  	v6 =	vld [tilespmem:s14+$0x40]  }
0x3d: {  	v60 =	vld [tilespmem:s14+$0x28C0];
	_ =	sdelay $0x4  }
0x3e: {  	vm12 =	veq.s32 v6, v60  }
0x3f: {  	v6 =	vsel vm12, v2, v60;
	_ =	sdelay $0x3  }
0x40: {  	[tilespmem:s14+$0x5130] =	vst v7;
	v7 =	vsel vm12, $0x0, v1  }
0x41: {  	[tilespmem:v6+s10+$0x0] =	vst.idx.add.f32.msk $0xffff, v7  }
0x42: {  	v7 =	vld [tilespmem:s14+$0x50]  }
0x43: {  	v61 =	vld [tilespmem:s14+$0x28D0];
	_ =	sdelay $0x4  }
0x44: {  	vm13 =	veq.s32 v7, v61  }
0x45: {  	v7 =	vsel vm13, v3, v61;
	_ =	sdelay $0x3  }
0x46: {  	[tilespmem:s14+$0x5140] =	vst v6;
	v6 =	vsel vm13, $0x0, v1  }
0x47: {  	[tilespmem:v7+s10+$0x0] =	vst.idx.add.f32.msk $0xffff, v6  }
0x48: {  	v6 =	vld [tilespmem:s14+$0x60]  }
0x49: {  	v62 =	vld [tilespmem:s14+$0x28E0];
	_ =	sdelay $0x4  }
0x4a: {  	vm14 =	veq.s32 v6, v62  }
0x4b: {  	v6 =	vsel vm14, v4, v62;
	_ =	sdelay $0x3  }
0x4c: {  	[tilespmem:s14+$0x5150] =	vst v7;
	v7 =	vsel vm14, $0x0, v1  }
0x4d: {  	[tilespmem:v6+s10+$0x0] =	vst.idx.add.f32.msk $0xffff, v7  }
0x4e: {  	v7 =	vld [tilespmem:s14+$0x70]  }
0x4f: {  	v63 =	vld [tilespmem:s14+$0x28F0];
	_ =	sdelay $0x4  }
0x50: {  	vm15 =	veq.s32 v7, v63  }
0x51: {  	v7 =	vsel vm15, v5, v63  }
0x52: {  	p0 =	sne.s32 s13, $0xA000  }
.Ltmp1:
0x53: {  	_ = 	snop;
	(pc) =	sbr.rel @p0 .LBB2_4-.Ltmp1, $4  }
0x54: {  	_ = 	snop  }
0x55: {  	[tilespmem:s14+$0x5160] =	vst v6;
	v6 =	vsel vm15, $0x0, v1  }
0x56: {  	[tilespmem:v7+s10+$0x0] =	vst.idx.add.f32.msk $0xffff, v6  }
0x57: {  	s13 =	sadd.s32 $0x200, s13;
	[tilespmem:s14+$0x5170] =	vst v7  }
0x58: {  	[hbm4b:s5+s2] =	stream.linear.scatter [tilespmem:s10], [sflag:$0x1], $0x2800, $0x38;
	[tilespmem:$0xA180] =	vst v63  }
0x59: {  	s12 =	sadd.s32 $0x1, s12;
	_ =	swait.ge [sflag:s8], $0x2800  }
0x5a: {  	p0 =	sne.s32 s12, s7;
	[sflag:s8] =	ssyncset.done $0x0  }
.Ltmp2:
0x5b: {  	[sflag:s8] =	ssyncadd.s32 $0xFFFFD800;
	(pc) =	sbr.rel @p0 .LBB2_1-.Ltmp2, $4  }
0x5c: {  	[hbm4b:s6+s2] =	stream.linear.scatter [tilespmem:s11], [sflag:$0x1], $0x2880, $0x38;
	[tilespmem:$0xA180] =	vst v63  }
0x5d: {  	_ =	swait.ge [sflag:s8], $0x2880  }
0x5e: {  	[sflag:s8] =	ssyncset.done $0x0  }
0x5f: {  	[sflag:s8] =	ssyncadd.s32 $0xFFFFD780  }
0x60: {  	_ =	sfence.sel $0x180000  }
0x61: {  	[bflag:$0x0] =	sbarrier.arrive $0xFFFF  }
0x62: {  	p0 =	sne.s32 s0, $0x0;
	_ =	strace $0x90000047  }
0x63: {  	s0 =	sadd.s32 @!p0 $0x100000, s1;
	[bflag:$0x2] =	sbarrier.arrive $0xFFFF  }
0x64: {  	[sflag:s0] =	ssyncadd.tile.s32 @!p0 $0x1;
	_ =	shalt  }
.Lfunc_end2:
_tile_overlayer_lowered:
.L_overlay_start_2:
0x65: {  	(tag) =	ssettag $0x2  }
0x66: {  	s0 =	rddreg [dreg:$0x0];
	s2 =	stileid.u32  }
0x67: {  	s1 =	rddreg [dreg:$0x1];
	p0 =	sne.s32 s2, $0x0  }
0x68: {  	s3 =	rddreg [dreg:$0x2];
	[bflag:$0x3] =	sbarrier.arrive $0xFFFF;
	s2 =	simm.s32 @!p0 $0x1C01  }
0x69: {  	[timem:s3], [sflag:s2] =	dma.local @!p0 [hbm:s0], s1  }
0x6a: {  	s0 =	simm.s32 @!p0 $0x1  }
0x6b: {  	_ =	swait.ge @!p0 [sflag:s0], s1  }
0x6c: {  	s1 =	ssub.s32 @!p0 $0x0, s1;
	[sflag:s0] =	ssyncset.done @!p0 $0x0  }
0x6d: {  	[sflag:s0] =	ssyncadd.s32 @!p0 s1  }
0x6e: {  	[bflag:$0x3] =	sbarrier.arrive $0xFFFF  }
0x6f: {  	_ =	shalt  }

// kernel: kernel.9.cloned.1.call-start
scs
__scs_entry_jumppad:
0x0: {  	(pc) =	sbr.rel $0x88, $3  }
0x1: {  	(tag) =	ssettag $0x0;
	lr =	simm.s32 $0x1  }
0x2: {  	[smem:$0x3F9D] =	sst lr;
	_ =	strace $0xD0000000  }
0x3: {  	_ = 	snop  }
0x4: {  	_ = 	snop  }
0x5: {  	_ = 	snop  }
0x6: {  	_ = 	snop  }
0x7: {  	_ = 	snop  }
__scs_overlays_trampoline_lowered:
0x8: {  	[smem:$0x3FAC] =	sst s0  }
0x9: {  	[smem:$0x3FAD] =	sst s1  }
0xa: {  	[smem:$0x3FAE] =	sst s2  }
0xb: {  	[smem:$0x3FAF] =	sst s3  }
0xc: {  	[smem:$0x3FB0] =	sst s4  }
0xd: {  	[smem:$0x3FB1] =	sst s5  }
0xe: {  	[smem:$0x3FB2] =	sst s6  }
0xf: {  	[smem:$0x3FB3] =	sst s7  }
0x10: {  	[smem:$0x3FB4] =	sst s8  }
0x11: {  	[smem:$0x3FB5] =	sst s9;
	s0 =	simm.s32 @!p0 $0x0  }
0x12: {  	s1 =	sld [smem:$0x3F9B];
	s0 =	simm.s32 @p0 $0x1  }
0x13: {  	[smem:$0x3FB6] =	sst s0;
	s0 =	simm.s32 @!p1 $0x0  }
0x14: {  	s2 =	sld [smem:$0x3F9A];
	s0 =	simm.s32 @p1 $0x1  }
0x15: {  	[smem:$0x3FB7] =	sst s0;
	s0 =	simm.s32 @!p2 $0x0  }
0x16: {  	s3 =	sld [smem:$0x3FDB];
	s0 =	simm.s32 @p2 $0x1  }
0x17: {  	s4 =	simm.s32 $0x1BF5;
	[smem:$0x3FB9] =	sst s0  }
0x18: {  	s0 =	sld [smem:$0x3F9C];
	_ =	swait.ge [sflag:s4], $0x0  }
0x19: {  	s7 =	sld [smem:$0x3F9D]  }
0x1a: {  	s8 =	sadd.s32 $0xFFFFE003, lr  }
0x1b: {  	s9 =	sadd.s32 $0xFFFFFEF7, lr;
	s5 =	simm.s32 $0xFFFFFFFF;
	p2 =	slt.u32 s8, $0xFFFFF086  }
0x1c: {  	p1 =	slt.u32 s9, $0xF7A;
	s5 =	simm.s32 @!p2 $0x0  }
0x1d: {  	s5 =	simm.s32 @p1 $0x1;
	p0 =	seq.s32 s7, s2  }
0x1e: {  	s7 =	smul.u32 @!p0 $0xF7A, s2;
	p2 =	seq.s32 @!p0 s5, $0x0  }
0x1f: {  	s9 =	smul.u32 $0xF7A, s1;
	s8 =	simm.s32 @!p0 $0x1BF5;
	p2 =	por !p2, p0  }
0x20: {  	[sflag:s8] =	ssyncset.s32 @!p0 $0xFFFFF086;
	s6 =	sadd.s32 @!p0 s3, s7;
	s7 =	simm.s32 @!p0 $0x108  }
0x21: {  	s3 =	sadd.s32 s3, s9;
	s6 =	sadd.s32 @!p0 $0x88, s6;
	s7 =	simm.s32 @p2 $0x1082  }
0x22: {  	[simem:s7], [sflag:s8] =	dma.local @!p0 [hbm:s6], $0xF7A  }
0x23: {  	s9 =	sor.u32 $0xD0000000, s2;
	s6 =	simm.s32 $0x108;
	_ =	swait.ge @!p0 [sflag:s8], $0x0  }
0x24: {  	s3 =	sadd.s32 $0x88, s3;
	s6 =	simm.s32 @!p1 $0x1082;
	[sflag:s4] =	ssyncset.s32 $0xFFFFF086  }
0x25: {  	[simem:s6], [sflag:s4] =	dma.local [hbm:s3], $0xF7A  }
0x26: {  	[smem:$0x3F9D] =	sst s1;
	(tag) =	ssettag s2;
	_ =	strace s9  }
0x27: {  	s1 =	sld [smem:$0x3FAD]  }
0x28: {  	s2 =	sld [smem:$0x3FAE]  }
0x29: {  	s4 =	sld [smem:$0x3FB0]  }
0x2a: {  	p0 =	seq.s32 s5, $0x0;
	s5 =	sld [smem:$0x3FB1]  }
0x2b: {  	s6 =	sld [smem:$0x3FB2]  }
0x2c: {  	s7 =	sld [smem:$0x3FB3]  }
0x2d: {  	s3 =	simm.s32 $0x108;
	s8 =	sld [smem:$0x3FB4]  }
0x2e: {  	s3 =	simm.s32 @!p0 $0x1082;
	s9 =	sld [smem:$0x3FB5]  }
0x2f: {  	lr =	sadd.s32 s0, s3;
	s0 =	sld [smem:$0x3FAC]  }
0x30: {  	s3 =	sld [smem:$0x3FAF]  }
0x31: {  	[smem:$0x3FB8] =	sst s10  }
0x32: {  	s10 =	sld [smem:$0x3FB6];
	_ =	sdelay $0x3  }
0x33: {  	p0 =	seq.s32 s10, $0x1;
	s10 =	sld [smem:$0x3FB8];
	_ =	sdelay $0x3  }
0x34: {  	[smem:$0x3FB8] =	sst s10  }
0x35: {  	s10 =	sld [smem:$0x3FB7];
	_ =	sdelay $0x3  }
0x36: {  	p1 =	seq.s32 s10, $0x1;
	s10 =	sld [smem:$0x3FB8];
	_ =	sdelay $0x3  }
0x37: {  	[smem:$0x3FB8] =	sst s10  }
0x38: {  	s10 =	sld [smem:$0x3FB9]  }
0x39: {  	_ = 	snop;
	(pc) =	sbr.ind lr, $3  }
0x3a: {  	_ = 	snop  }
0x3b: {  	_ = 	snop  }
0x3c: {  	p2 =	seq.s32 s10, $0x1;
	s10 =	sld [smem:$0x3FB8]  }
0x3d: {  	_ =	shalt  }
0x3e: {  	_ =	shalt  }
0x3f: {  	_ =	shalt  }
0x40: {  	_ =	shalt  }
0x41: {  	_ =	shalt  }
0x42: {  	_ =	shalt  }
0x43: {  	_ =	shalt  }
0x44: {  	_ =	shalt  }
0x45: {  	_ =	shalt  }
0x46: {  	_ =	shalt  }
0x47: {  	_ =	shalt  }
0x48: {  	_ =	shalt  }
0x49: {  	_ =	shalt  }
0x4a: {  	_ =	shalt  }
0x4b: {  	_ =	shalt  }
0x4c: {  	_ =	shalt  }
0x4d: {  	_ =	shalt  }
0x4e: {  	_ =	shalt  }
0x4f: {  	_ =	shalt  }
0x50: {  	_ =	shalt  }
0x51: {  	_ =	shalt  }
0x52: {  	_ =	shalt  }
0x53: {  	_ =	shalt  }
0x54: {  	_ =	shalt  }
0x55: {  	_ =	shalt  }
0x56: {  	_ =	shalt  }
0x57: {  	_ =	shalt  }
0x58: {  	_ =	shalt  }
0x59: {  	_ =	shalt  }
0x5a: {  	_ =	shalt  }
0x5b: {  	_ =	shalt  }
0x5c: {  	_ =	shalt  }
0x5d: {  	_ =	shalt  }
0x5e: {  	_ =	shalt  }
0x5f: {  	_ =	shalt  }
0x60: {  	_ =	shalt  }
0x61: {  	_ =	shalt  }
0x62: {  	_ =	shalt  }
0x63: {  	_ =	shalt  }
0x64: {  	_ =	shalt  }
0x65: {  	_ =	shalt  }
0x66: {  	_ =	shalt  }
0x67: {  	_ =	shalt  }
0x68: {  	_ =	shalt  }
0x69: {  	_ =	shalt  }
0x6a: {  	_ =	shalt  }
0x6b: {  	_ =	shalt  }
0x6c: {  	_ =	shalt  }
0x6d: {  	_ =	shalt  }
0x6e: {  	_ =	shalt  }
0x6f: {  	_ =	shalt  }
0x70: {  	_ =	shalt  }
0x71: {  	_ =	shalt  }
0x72: {  	_ =	shalt  }
0x73: {  	_ =	shalt  }
0x74: {  	_ =	shalt  }
0x75: {  	_ =	shalt  }
0x76: {  	_ =	shalt  }
0x77: {  	_ =	shalt  }
0x78: {  	_ =	shalt  }
0x79: {  	_ =	shalt  }
0x7a: {  	_ =	shalt  }
0x7b: {  	_ =	shalt  }
0x7c: {  	_ =	shalt  }
0x7d: {  	_ =	shalt  }
0x7e: {  	_ =	shalt  }
0x7f: {  	_ =	shalt  }
0x80: {  	_ =	shalt  }
0x81: {  	_ =	shalt  }
0x82: {  	_ =	shalt  }
0x83: {  	_ =	shalt  }
0x84: {  	_ =	shalt  }
0x85: {  	_ =	shalt  }
0x86: {  	_ =	shalt  }
0x87: {  	_ =	shalt  }
.Lfunc_end0:
.L_simem_size_0:
called_computation.1_lowered:
.L_overlay_start_0:
0x88: {  	s2 =	sld [smem:$0x3FD9]  }
0x89: {  	s3 =	sld [smem:$0x3FFE];
	_ =	sdelay $0x1  }
0x8a: {  	s1 =	srdreg.scid  }
0x8b: {  	s0 =	sand.u32 $0x1, s1  }
0x8c: {  	s17 =	sshll.u32 s0, $0xA;
	s2 =	sadd.s32 s3, s2  }
0x8d: {  	s2 =	sadd.s32 s2, s17  }
0x8e: {  	[smem:$0x3FC4] =	sst s2  }
0x8f: {  	_ = 	snop  }
0x90: {  	s2 =	sld [smem:$0x3FD0];
	(tm) =	ssettm $0x1  }
0x91: {  	s18 =	sld [smem:$0x3FFB];
	_ =	sdelay $0x3  }
0x92: {  	_ =	strace s18  }
0x93: {  	s3 =	sld [smem:$0x3FFC];
	_ =	sdelay $0x3  }
0x94: {  	_ =	strace s3  }
0x95: {  	s3 =	sld [smem:$0x3FFD];
	_ =	sdelay $0x3  }
0x96: {  	_ =	strace s3  }
0x97: {  	_ =	strace $0x8FFFFFFF  }
0x98: {  	s19 =	sld [smem:$0x3FDB];
	_ =	sdelay $0x1  }
0x99: {  	s4 =	simm.s32 $_scs_section_size  }
0x9a: {  	s5 =	simm.s32 $_size__tile_overlayer_lowered;
	s6 =	simm.s32 $_tile_overlayer_lowered  }
0x9b: {  	s22 =	simm.s32 $0x1BFF;
	s21 =	sshll.u32 s6, $0x1;
	s3 =	sadd.s32 s4, s19  }
0x9c: {  	s7 =	simm.s32 $0x0;
	s20 =	sshll.u32 s5, $0x1;
	s5 =	sadd.s32 s21, s3  }
0x9d: {  	[timem:s7], [sflag:s22] =	dma.local [hbm:s5], s20  }
0x9e: {  	_ =	swait.ge [sflag:s22], s20  }
0x9f: {  	s4 =	ssub.s32 $0x0, s20;
	[sflag:s22] =	ssyncset.done $0x0  }
0xa0: {  	[sflag:s22] =	ssyncadd.s32 s4;
	_ =	sdelay $0x1  }
0xa1: {  	s23 =	simm.s32 $0x1B8B  }
0xa2: {  	_ =	swait.ge [sflag:s23], $0x1  }
0xa3: {  	[sflag:s23] =	ssyncset.done $0x0  }
0xa4: {  	s25 =	simm.s32 $0x1B8E;
	s24 =	sld [smem:$0x3FFE];
	[sflag:s23] =	ssyncadd.s32 $0xFFFFFFFF  }
0xa5: {  	s26 =	simm.s32 $execute0_lowered;
	[smem:$0x3FD2] =	sst s25  }
0xa6: {  	s5 =	sshll.u32 s26, $0x1;
	_ =	strace $0x80000049;
	[dreg:$0x1] =	wrdreg $0xFFFFFFFF  }
0xa7: {  	s28 =	simm.s32 $_size_execute0_lowered;
	s3 =	sadd.s32 s3, s5;
	[dreg:$0x0] =	wrdreg $0x0  }
0xa8: {  	s5 =	sshll.u32 s28, $0x1;
	[dreg:$0x2] =	wrdreg s3  }
0xa9: {  	[dreg:$0x3] =	wrdreg s5  }
0xaa: {  	[dreg:$0x4] =	wrdreg $0xC0  }
0xab: {  	_ =	task [dreg:s7], $0x5FFFF  }
0xac: {  	[dreg:$0x1] =	wrdreg $0xFFFFFFFF  }
0xad: {  	[dreg:$0x0] =	wrdreg $0x60  }
0xae: {  	[dreg:$0x2] =	wrdreg s24  }
0xaf: {  	[dreg:$0x3] =	wrdreg s2  }
0xb0: {  	[dreg:$0x4] =	wrdreg $0x14F000  }
0xb1: {  	[dreg:$0x5] =	wrdreg $0xB1000  }
0xb2: {  	[dreg:$0x6] =	wrdreg $0x9  }
0xb3: {  	_ =	task.clear_ibuf [dreg:s7], $0x7FFFF;
	_ =	strace $0x90000049  }
0xb4: {  	s29 =	simm.s32 $0x9;
	_ =	strace $0x8000004B  }
0xb5: {  	_ =	swait.ge [sflag:s29], $0x1  }
0xb6: {  	[sflag:s29] =	ssyncadd.s32 $0xFFFFFFFF  }
0xb7: {  	_ =	strace $0x9000004B  }
0xb8: {  	_ =	sfence  }
0xb9: {  	s30 =	sld [smem:$0x0];
	_ =	sdelay $0x2  }
0xba: {  	s31 =	sshll.u32 s1, $0xD;
	s1 =	sshrl.u32 s1, $0x2  }
0xbb: {  	s3 =	sand.u32 $0x4000, s31;
	s1 =	sadd.s32 s1, s30  }
0xbc: {  	s0 =	sor.u32 s3, s0;
	s1 =	sshll.u32 s1, $0x11  }
0xbd: {  	s0 =	sor.u32 s1, s0  }
0xbe: {  	s0 =	sadd.s32 $0x8F2B, s0  }
0xbf: {  	[sflag:s0] =	ssyncadd.remote.s32 $0x1  }
0xc0: {  	_ =	sfence.sel $0xFFFF  }
0xc1: {  	[dreg:$0x0] =	wrdreg $0xFFFFFFFF;
	(pc) =	sbr.abs _section_cstart, $3  }
0xc2: {  	[dreg:$0x1] =	wrdreg $0xFFFFFFFF  }
0xc3: {  	_ =	task.clear_ibuf [dreg:s7], $0x2FFFF;
	_ =	strace $0x9FFFFFFF  }
0xc4: {  	(tm) =	ssettm $0x7FFFFFFF  }
0xc5: {  	_ =	shalt  }
tec
execute0_lowered:
.L_overlay_start_1:
0x0: {  	(tag) =	ssettag $0x1  }
0x1: {  	s0 =	rddreg [dreg:$0x0]  }
0x2: {  	s1 =	rddreg [dreg:$0x1]  }
0x3: {  	s2 =	rddreg [dreg:$0x2]  }
0x4: {  	s3 =	rddreg [dreg:$0x3]  }
0x5: {  	s4 =	srdreg.scid;
	s22 =	stileid.u32  }
0x6: {  	s6 =	simm.s32 $0x0;
	s28 =	simm.s32 $0x7100;
	s30 =	simm.s32 $0x9100  }
0x7: {  	s31 =	simm.s32 $0x1;
	s29 =	simm.s32 $0x5;
	s4 =	sand.u32 $0x1, s4  }
0x8: {  	s5 =	sshll.u32 s22, $0x1;
	s7 =	smul.u32 $0x13800, s22;
	[smem:$0x7FF] =	sst s6  }
0x9: {  	s21 =	smul.u32 $0x27000, s22;
	s15 =	sadd.s32 $0x9C000, s3;
	s16 =	sadd.s32 $0x33800, s0  }
0xa: {  	s5 =	sor.u32 s4, s5;
	s8 =	ssub.s32 $0x2, s4;
	s4 =	smul.u32 $0x138800, s4  }
0xb: {  	p0 =	sne.s32 s22, $0xF;
	_ =	strace $0x8000004A;
	s5 =	smul.u32 $0x510, s5  }
0xc: {  	s20 =	sshrl.u32 s7, $0x4;
	s9 =	sshrl.u32 s8, $0x1;
	s10 =	sshrl.u32 s7, $0x1  }
0xd: {  	s24 =	sshrl.u32 s21, $0x2;
	s21 =	simm.s32 $0x8;
	s6 =	sadd.s32 s20, s0  }
0xe: {  	s8 =	ssub.s32 s8, s9;
	s20 =	sadd.s32 s10, s2;
	s10 =	sadd.s32 s10, s3  }
0xf: {  	s25 =	sadd.s32 s24, s3;
	s7 =	sadd.s32 s7, s4;
	s4 =	sshrl.u32 s4, $0x4  }
0x10: {  	s5 =	sadd.s32 s5, s0;
	s6 =	sadd.s32 $0x20000, s6;
	s12 =	sadd.s32 $0x4000, s25  }
0x11: {  	s13 =	sadd.s32 $0x6000, s25;
	s14 =	sadd.s32 $0x8000, s25;
	s26 =	sshrl.u32 s7, $0x4  }
0x12: {  	s4 =	sadd.s32 s1, s4;
	s19 =	smax.u32 s8, $0x1;
	s20 =	sshrl.u32 s20, $0x3  }
0x13: {  	s0 =	simm.s32 $0x2;
	[dreg:$0x5] =	wrdreg s6;
	s6 =	sshll.u32 s22, $0x6  }
0x14: {  	s23 =	sadd.s32 $0x1A00, s5;
	s5 =	sadd.s32 $0x15E00, s5;
	s17 =	sadd.s32 s1, s26  }
0x15: {  	s18 =	sadd.s32 $0x13800, s4;
	s26 =	simm.s32 $0x80;
	s1 =	simm.s32 $0x3  }
0x16: {  	s22 =	simm.s32 $0x4;
	s4 =	simm.s32 $0x6;
	[dreg:$0x7] =	wrdreg s23  }
0x17: {  	s11 =	sor.u32 $0x1C07, s6;
	[dreg:$0x8] =	wrdreg s5;
	s5 =	sadd.s32 $0x9C000, s2  }
0x18: {  	s23 =	simm.s32 $0x5100;
	[dreg:$0x6] =	wrdreg s11;
	s11 =	sadd.s32 $0x2000, s25  }
0x19: {  	v0 =	vimm.bf16 $0.0e+00;
	s24 =	sshrl.u32 @!p0 s5, $0x3;
	s25 =	simm.s32 $0x7;
	s5 =	simm.s32 $0x0  }
.LBB2_1:
0x1a: {  	s7 =	rddreg [dreg:$0x5]  }
0x1b: {  	s8 =	rddreg [dreg:$0x6]  }
0x1c: {  	[spmem:s20], [sflag:s8] =	dma.local [hbm:s7], $0x1380  }
0x1d: {  	s7 =	simm.s32 $0x0;
	s8 =	rddreg [dreg:$0x7]  }
0x1e: {  	[tilespmem:s7], [sflag:$0x8] =	stream.linear.gather [hbm4b:s8+s7], $0x2880, $0x38;
	[tilespmem:$0x1EB40] =	vst v63  }
0x1f: {  	_ =	swait.ge [sflag:s21], $0x2880  }
0x20: {  	[sflag:s21] =	ssyncset.done $0x0  }
0x21: {  	s9 =	simm.s32 $0x2880;
	s8 =	rddreg [dreg:$0x8];
	[sflag:s21] =	ssyncadd.s32 $0xFFFFD780  }
0x22: {  	[tilespmem:s9], [sflag:$0x8] =	stream.linear.gather [hbm4b:s8+s7], $0x2880, $0x38;
	[tilespmem:$0x1EB40] =	vst v63  }
0x23: {  	_ =	swait.ge [sflag:s21], $0x2880  }
0x24: {  	[sflag:s21] =	ssyncset.done $0x0  }
0x25: {  	s8 =	simm.s32 $0x100;
	s7 =	simm.s32 $0x0;
	[sflag:s21] =	ssyncadd.s32 $0xFFFFD780  }
.LBB2_2:
0x26: {  	p1 =	sne.s32 s8, $0x7F00;
	[tilespmem:s7+$0x5130] =	vst v0;
	s9 =	smov.u32 s8;
	s8 =	sadd.s32 $0x100, s8  }
.Ltmp0:
0x27: {  	[tilespmem:s7+$0x5120] =	vst v0;
	(pc) =	sbr.rel @p1 .LBB2_2-.Ltmp0, $3  }
0x28: {  	[tilespmem:s7+$0x5100] =	vst v0  }
0x29: {  	[tilespmem:s7+$0x5110] =	vst v0;
	_ =	sdelay $0x1  }
0x2a: {  	s7 =	sshra.s32 s9, $0x2  }
0x2b: {  	[tilespmem:s7+$0x5130] =	vst v0  }
0x2c: {  	[tilespmem:s7+$0x5120] =	vst v0  }
0x2d: {  	[tilespmem:s7+$0x5100] =	vst v0  }
0x2e: {  	[tilespmem:s7+$0x5110] =	vst v0  }
0x2f: {  	[spmem:s10] =	stream.linear.scatter [tilespmem:s23], [sflag:$0x8], $0x2000, $0x38;
	[tilespmem:$0x1EB40] =	vst v63  }
0x30: {  	_ =	swait.ge [sflag:s21], $0x2000  }
0x31: {  	[sflag:s21] =	ssyncset.done $0x0  }
0x32: {  	[sflag:s21] =	ssyncadd.s32 $0xFFFFE000  }
0x33: {  	[spmem:s11] =	stream.linear.scatter [tilespmem:s23], [sflag:$0x8], $0x2000, $0x38;
	[tilespmem:$0x1EB40] =	vst v63  }
0x34: {  	_ =	swait.ge [sflag:s21], $0x2000  }
0x35: {  	[sflag:s21] =	ssyncset.done $0x0  }
0x36: {  	[sflag:s21] =	ssyncadd.s32 $0xFFFFE000  }
0x37: {  	[spmem:s12] =	stream.linear.scatter [tilespmem:s23], [sflag:$0x8], $0x2000, $0x38;
	[tilespmem:$0x1EB40] =	vst v63  }
0x38: {  	_ =	swait.ge [sflag:s21], $0x2000  }
0x39: {  	[sflag:s21] =	ssyncset.done $0x0  }
0x3a: {  	[sflag:s21] =	ssyncadd.s32 $0xFFFFE000  }
0x3b: {  	[spmem:s13] =	stream.linear.scatter [tilespmem:s23], [sflag:$0x8], $0x2000, $0x38;
	[tilespmem:$0x1EB40] =	vst v63  }
0x3c: {  	_ =	swait.ge [sflag:s21], $0x2000  }
0x3d: {  	[sflag:s21] =	ssyncset.done $0x0  }
0x3e: {  	[sflag:s21] =	ssyncadd.s32 $0xFFFFE000  }
0x3f: {  	[spmem:s14] =	stream.linear.scatter [tilespmem:s23], [sflag:$0x8], $0x1C00, $0x38;
	[tilespmem:$0x1EB40] =	vst v63  }
0x40: {  	_ =	swait.ge [sflag:s21], $0x1C00  }
0x41: {  	[sflag:s21] =	ssyncset.done $0x0  }
0x42: {  	s7 =	simm.s32 @!p0 $0x5100;
	[sflag:s21] =	ssyncadd.s32 $0xFFFFE400  }
0x43: {  	[spmem:s15] =	stream.linear.scatter @!p0 [tilespmem:s7], [sflag:$0x8], $0x2000, $0x38;
	[tilespmem:$0x1EB40] =	vst v63  }
0x44: {  	s7 =	simm.s32 @!p0 $0x8  }
0x45: {  	_ =	swait.ge @!p0 [sflag:s7], $0x2000  }
0x46: {  	[sflag:s7] =	ssyncset.done @!p0 $0x0  }
0x47: {  	s8 =	simm.s32 @!p0 $0x1FC8;
	[sflag:s7] =	ssyncadd.s32 @!p0 $0xFFFFE000  }
0x48: {  	[spmem:s24], [sflag:s8] =	dma.local @!p0 [hbm:s16], $0x80  }
0x49: {  	_ =	swait.ge @!p0 [sflag:s7], $0x80  }
0x4a: {  	[sflag:s7] =	ssyncset.done @!p0 $0x0  }
0x4b: {  	[sflag:s7] =	ssyncadd.s32 @!p0 $0xFFFFFF80  }
0x4c: {  	_ =	swait.ge [sflag:s25], $0x1380  }
0x4d: {  	[sflag:s25] =	ssyncset.done $0x0  }
0x4e: {  	[sflag:s25] =	ssyncadd.s32 $0xFFFFEC80  }
0x4f: {  	s9 =	simm.s32 $0x0;
	[bflag:$0x0] =	sbarrier.arrive $0xFFFF  }
0x50: {  	[tilespmem:s23], [sflag:$0x1] =	stream.indirect.gather [spmem:s2], $0x40, s9, s26, $0xb8;
	[tilespmem:$0x1EB40] =	vst v63  }
0x51: {  	_ = 	snop  }
0x52: {  	[tilespmem:s28], [sflag:$0x2] =	stream.indirect.gather [spmem:s2], $0x40, s26, s26, $0xb8;
	[tilespmem:$0x1EB40] =	vst v63  }
0x53: {  	s8 =	simm.s32 $0x100  }
0x54: {  	[tilespmem:s30], [sflag:$0x3] =	stream.indirect.gather [spmem:s2], $0x40, s8, s26, $0xb8;
	[tilespmem:$0x1EB40] =	vst v63  }
0x55: {  	_ =	swait.ge [sflag:s31], $0x2000  }
0x56: {  	[sflag:s31] =	ssyncset.done $0x0  }
0x57: {  	s9 =	simm.s32 $0x2880;
	[sflag:s31] =	ssyncadd.s32 $0xFFFFE000  }
0x58: {  	[spmem:s3] =	stream.indirect.scatter.add.bf16 [tilespmem:s23], [sflag:$0x4], $0x40, s9, s26, $0xb8;
	[tilespmem:$0x1EB40] =	vst v63  }
0x59: {  	_ =	swait.ge [sflag:s0], $0x2000  }
0x5a: {  	[sflag:s0] =	ssyncset.done $0x0  }
0x5b: {  	s8 =	simm.s32 $0x2900;
	[sflag:s0] =	ssyncadd.s32 $0xFFFFE000  }
0x5c: {  	[spmem:s3] =	stream.indirect.scatter.add.bf16 [tilespmem:s28], [sflag:$0x5], $0x40, s8, s26, $0xb8;
	[tilespmem:$0x1EB40] =	vst v63  }
0x5d: {  	_ =	swait.ge [sflag:s1], $0x2000  }
0x5e: {  	[sflag:s1] =	ssyncset.done $0x0  }
0x5f: {  	s9 =	simm.s32 $0x2980;
	[sflag:s1] =	ssyncadd.s32 $0xFFFFE000  }
0x60: {  	[spmem:s3] =	stream.indirect.scatter.add.bf16 [tilespmem:s30], [sflag:$0x6], $0x40, s9, s26, $0xb8;
	[tilespmem:$0x1EB40] =	vst v63  }
0x61: {  	_ =	swait.ge [sflag:s22], $0x2000  }
0x62: {  	[sflag:s22] =	ssyncset.done $0x0  }
0x63: {  	s8 =	simm.s32 $0x180;
	[sflag:s22] =	ssyncadd.s32 $0xFFFFE000  }
0x64: {  	[tilespmem:s23], [sflag:$0x1] =	stream.indirect.gather [spmem:s2], $0x40, s8, s26, $0xb8;
	[tilespmem:$0x1EB40] =	vst v63  }
0x65: {  	_ =	swait.ge [sflag:s29], $0x2000  }
0x66: {  	[sflag:s29] =	ssyncset.done $0x0  }
0x67: {  	s9 =	simm.s32 $0x200;
	[sflag:s29] =	ssyncadd.s32 $0xFFFFE000  }
0x68: {  	[tilespmem:s28], [sflag:$0x2] =	stream.indirect.gather [spmem:s2], $0x40, s9, s26, $0xb8;
	[tilespmem:$0x1EB40] =	vst v63  }
0x69: {  	_ =	swait.ge [sflag:s4], $0x2000  }
0x6a: {  	[sflag:s4] =	ssyncset.done $0x0  }
0x6b: {  	s7 =	simm.s32 $0x600;
	s8 =	simm.s32 $0x280;
	[sflag:s4] =	ssyncadd.s32 $0xFFFFE000  }
.LBB2_4:
0x6c: {  	[tilespmem:s30], [sflag:$0x3] =	stream.indirect.gather [spmem:s2], $0x40, s8, s26, $0xb8;
	[tilespmem:$0x1EB40] =	vst v63  }
0x6d: {  	s8 =	smov.u32 s7  }
0x6e: {  	p1 =	sne.s32 s7, $0x9600;
	s7 =	sadd.s32 $0x600, s7;
	_ =	swait.ge [sflag:s31], $0x2000  }
0x6f: {  	s8 =	sshra.s32 s8, $0x2;
	[sflag:s31] =	ssyncset.done $0x0  }
0x70: {  	s9 =	sadd.s32 $0x2880, s8;
	[sflag:s31] =	ssyncadd.s32 $0xFFFFE000  }
0x71: {  	[spmem:s3] =	stream.indirect.scatter.add.bf16 [tilespmem:s23], [sflag:$0x4], $0x40, s9, s26, $0xb8;
	[tilespmem:$0x1EB40] =	vst v63  }
0x72: {  	_ =	swait.ge [sflag:s0], $0x2000  }
0x73: {  	[sflag:s0] =	ssyncset.done $0x0  }
0x74: {  	s9 =	sadd.s32 $0x2900, s8;
	[sflag:s0] =	ssyncadd.s32 $0xFFFFE000  }
0x75: {  	[spmem:s3] =	stream.indirect.scatter.add.bf16 [tilespmem:s28], [sflag:$0x5], $0x40, s9, s26, $0xb8;
	[tilespmem:$0x1EB40] =	vst v63  }
0x76: {  	_ =	swait.ge [sflag:s1], $0x2000  }
0x77: {  	[sflag:s1] =	ssyncset.done $0x0  }
0x78: {  	s9 =	sadd.s32 $0x2980, s8;
	[sflag:s1] =	ssyncadd.s32 $0xFFFFE000  }
0x79: {  	[spmem:s3] =	stream.indirect.scatter.add.bf16 [tilespmem:s30], [sflag:$0x6], $0x40, s9, s26, $0xb8;
	[tilespmem:$0x1EB40] =	vst v63  }
0x7a: {  	_ =	swait.ge [sflag:s22], $0x2000  }
0x7b: {  	[sflag:s22] =	ssyncset.done $0x0  }
0x7c: {  	s9 =	sadd.s32 $0x180, s8;
	[sflag:s22] =	ssyncadd.s32 $0xFFFFE000  }
0x7d: {  	[tilespmem:s23], [sflag:$0x1] =	stream.indirect.gather [spmem:s2], $0x40, s9, s26, $0xb8;
	[tilespmem:$0x1EB40] =	vst v63  }
0x7e: {  	_ =	swait.ge [sflag:s29], $0x2000  }
0x7f: {  	[sflag:s29] =	ssyncset.done $0x0  }
.Ltmp1:
0x80: {  	s9 =	sadd.s32 $0x200, s8;
	[sflag:s29] =	ssyncadd.s32 $0xFFFFE000;
	(pc) =	sbr.rel @p1 .LBB2_4-.Ltmp1, $4  }
0x81: {  	[tilespmem:s28], [sflag:$0x2] =	stream.indirect.gather [spmem:s2], $0x40, s9, s26, $0xb8;
	[tilespmem:$0x1EB40] =	vst v63  }
0x82: {  	_ =	swait.ge [sflag:s4], $0x2000  }
0x83: {  	[sflag:s4] =	ssyncset.done $0x0  }
0x84: {  	s8 =	sadd.s32 $0x280, s8;
	[sflag:s4] =	ssyncadd.s32 $0xFFFFE000  }
0x85: {  	[tilespmem:s30], [sflag:$0x3] =	stream.indirect.gather [spmem:s2], $0x40, s8, s26, $0xb8;
	[tilespmem:$0x1EB40] =	vst v63  }
0x86: {  	_ =	swait.ge [sflag:s31], $0x2000  }
0x87: {  	[sflag:s31] =	ssyncset.done $0x0  }
0x88: {  	s7 =	simm.s32 $0x4F80;
	[sflag:s31] =	ssyncadd.s32 $0xFFFFE000  }
0x89: {  	[spmem:s3] =	stream.indirect.scatter.add.bf16 [tilespmem:s23], [sflag:$0x8], $0x40, s7, s26, $0xb8;
	[tilespmem:$0x1EB40] =	vst v63  }
0x8a: {  	_ =	swait.ge [sflag:s21], $0x2000  }
0x8b: {  	[sflag:s21] =	ssyncset.done $0x0  }
0x8c: {  	[sflag:s21] =	ssyncadd.s32 $0xFFFFE000  }
0x8d: {  	_ =	swait.ge [sflag:s0], $0x2000  }
0x8e: {  	[sflag:s0] =	ssyncset.done $0x0  }
0x8f: {  	s9 =	simm.s32 $0x5000;
	[sflag:s0] =	ssyncadd.s32 $0xFFFFE000  }
0x90: {  	[spmem:s3] =	stream.indirect.scatter.add.bf16 [tilespmem:s28], [sflag:$0x8], $0x40, s9, s26, $0xb8;
	[tilespmem:$0x1EB40] =	vst v63  }
0x91: {  	_ =	swait.ge [sflag:s21], $0x2000  }
0x92: {  	[sflag:s21] =	ssyncset.done $0x0  }
0x93: {  	[sflag:s21] =	ssyncadd.s32 $0xFFFFE000  }
0x94: {  	_ =	swait.ge [sflag:s1], $0x2000  }
0x95: {  	[sflag:s1] =	ssyncset.done $0x0  }
0x96: {  	s8 =	simm.s32 $0x5080;
	[sflag:s1] =	ssyncadd.s32 $0xFFFFE000  }
0x97: {  	[spmem:s3] =	stream.indirect.scatter.add.bf16 [tilespmem:s30], [sflag:$0x8], $0x40, s8, s26, $0xb8;
	[tilespmem:$0x1EB40] =	vst v63  }
0x98: {  	_ =	swait.ge [sflag:s21], $0x2000  }
0x99: {  	[sflag:s21] =	ssyncset.done $0x0  }
0x9a: {  	[sflag:s21] =	ssyncadd.s32 $0xFFFFE000  }
0x9b: {  	s7 =	sor.u32 $0x1C08, s6;
	s9 =	sshrl.u32 s10, $0x3;
	[bflag:$0x0] =	sbarrier.arrive $0xFFFF  }
0x9c: {  	[hbm:s17], [sflag:s7] =	dma.local [spmem:s9], $0x1380  }
0x9d: {  	_ =	swait.ge [sflag:s21], $0x1380  }
0x9e: {  	s5 =	sadd.s32 $0x1, s5;
	[sflag:s21] =	ssyncset.done $0x0  }
0x9f: {  	p1 =	sne.s32 s5, s19;
	s8 =	sshrl.u32 @!p0 s15, $0x3;
	[sflag:s21] =	ssyncadd.s32 $0xFFFFEC80  }
0xa0: {  	[hbm:s18], [sflag:s7] =	dma.local @!p0 [spmem:s8], $0x80  }
.Ltmp2:
0xa1: {  	_ = 	snop;
	(pc) =	sbr.rel @p1 .LBB2_1-.Ltmp2, $4  }
0xa2: {  	s7 =	simm.s32 @!p0 $0x8  }
0xa3: {  	_ =	swait.ge @!p0 [sflag:s7], $0x80  }
0xa4: {  	[sflag:s7] =	ssyncset.done @!p0 $0x0  }
0xa5: {  	[sflag:s7] =	ssyncadd.s32 @!p0 $0xFFFFFF80  }
0xa6: {  	_ =	sfence.sel $0x180000  }
0xa7: {  	[bflag:$0x0] =	sbarrier.arrive $0xFFFF  }
0xa8: {  	_ =	strace $0x9000004A  }
0xa9: {  	s0 =	stileid.u32;
	[bflag:$0x2] =	sbarrier.arrive $0xFFFF  }
0xaa: {  	p0 =	sne.s32 s0, $0x0;
	s0 =	rddreg [dreg:$0x4]  }
0xab: {  	s0 =	sadd.s32 @!p0 $0x100000, s0  }
0xac: {  	[sflag:s0] =	ssyncadd.tile.s32 @!p0 $0x1;
	_ =	shalt  }
.Lfunc_end2:
_tile_overlayer_lowered:
.L_overlay_start_2:
0xad: {  	(tag) =	ssettag $0x2  }
0xae: {  	s0 =	rddreg [dreg:$0x0];
	s2 =	stileid.u32  }
0xaf: {  	s1 =	rddreg [dreg:$0x1];
	p0 =	sne.s32 s2, $0x0  }
0xb0: {  	s3 =	rddreg [dreg:$0x2];
	[bflag:$0x3] =	sbarrier.arrive $0xFFFF;
	s2 =	simm.s32 @!p0 $0x1C08  }
0xb1: {  	[timem:s3], [sflag:s2] =	dma.local @!p0 [hbm:s0], s1  }
0xb2: {  	s0 =	simm.s32 @!p0 $0x8  }
0xb3: {  	_ =	swait.ge @!p0 [sflag:s0], s1  }
0xb4: {  	s1 =	ssub.s32 @!p0 $0x0, s1;
	[sflag:s0] =	ssyncset.done @!p0 $0x0  }
0xb5: {  	[sflag:s0] =	ssyncadd.s32 @!p0 s1  }
0xb6: {  	[bflag:$0x3] =	sbarrier.arrive $0xFFFF  }
0xb7: {  	_ =	shalt  }

</sc_bundles>
